<compile_context>
chip_gen: v7x
topology: tpu7x:2x2x1
jax: 0.10.2.dev20260603
libtpu: 0.0.44.dev20260713+nightly
codegen_flags: <defaults>
</compile_context>

<pallas_src>
import jax
import jax.numpy as jnp
from jax.experimental import pallas as pl
from jax.experimental.pallas import tpu as pltpu

_B, _SEQ, _C, _H = 32, 4096, 192, 4
_W = _SEQ // _H
_FIX = 384
_OVL = 4
_NVQ = 6
_K = 1024
_VD = 256
_COMMIT = 0.25
_NROW = _B * _W // _OVL
_JB = _W // _OVL


def _fused_kernel(z_ref, wd_ref, wu_ref, e_ref, out_ref, loss_ref,
                  eb_ref, wut_ref):
    @pl.when(pl.program_id(0) == 0)
    def _prep():
        eb_ref[...] = e_ref[...].astype(jnp.bfloat16)
        rows = jax.lax.broadcasted_iota(jnp.int32, (_C * _H, _C), 0)
        cols = jax.lax.broadcasted_iota(jnp.int32, (_C * _H, _C), 1)
        for h in range(_H):
            sel = (rows == cols * _H + h).astype(jnp.float32)
            wut_ref[h] = jnp.dot(wu_ref[...], sel,
                                 preferred_element_type=jnp.float32
                                 ).astype(jnp.bfloat16)

    zp = jnp.zeros((_W, _FIX), jnp.float32)
    for h in range(_H):
        zp = zp + jnp.dot(z_ref[0, h], wd_ref[:, h * _FIX:(h + 1) * _FIX],
                          preferred_element_type=jnp.float32)
    zo = zp.reshape(_JB, _OVL * _FIX)

    total = jnp.float32(0.0)
    zq_cols = []
    for i in range(_NVQ):
        zf = zo[:, i * _VD:(i + 1) * _VD]
        ei = e_ref[i]
        z2 = jnp.sum(zf * zf, axis=1, keepdims=True)
        e2 = jnp.sum(ei * ei, axis=0, keepdims=True)
        dist = z2 - 2.0 * jnp.dot(zf, ei, preferred_element_type=jnp.float32) + e2
        idx = jnp.argmin(dist, axis=1)
        total = total + jnp.sum(jnp.min(dist, axis=1))
        onehot = (jax.lax.broadcasted_iota(jnp.int32, (_JB, _K), 1)
                  == idx[:, None]).astype(jnp.bfloat16)
        zq_cols.append(jax.lax.dot_general(
            onehot, eb_ref[i], (((1,), (1,)), ((), ())),
            preferred_element_type=jnp.float32).astype(jnp.bfloat16))

    zq = jnp.concatenate(zq_cols, axis=1)
    zqp = zq.reshape(_W, _FIX)

    for h in range(_H):
        out_ref[0, h] = jnp.dot(zqp, wut_ref[h],
                                preferred_element_type=jnp.float32)

    @pl.when(pl.program_id(0) == 0)
    def _init():
        loss_ref[...] = jnp.full((8, 128), total, jnp.float32)

    @pl.when(pl.program_id(0) != 0)
    def _acc():
        loss_ref[...] = loss_ref[...] + jnp.full((8, 128), total, jnp.float32)


def kernel(z, Wd, Wu, E):
    z4 = z.reshape(_B, _H, _W, _C)
    wd2 = Wd.reshape(_C, _H * _FIX)
    out, lossb = pl.pallas_call(
        _fused_kernel,
        grid=(_B,),
        in_specs=[pl.BlockSpec((1, _H, _W, _C), lambda b: (b, 0, 0, 0)),
                  pl.BlockSpec((_C, _H * _FIX), lambda b: (0, 0)),
                  pl.BlockSpec((_FIX, _C * _H), lambda b: (0, 0)),
                  pl.BlockSpec((_NVQ, _VD, _K), lambda b: (0, 0, 0))],
        out_specs=[pl.BlockSpec((1, _H, _W, _C), lambda b: (b, 0, 0, 0)),
                   pl.BlockSpec((8, 128), lambda b: (0, 0))],
        out_shape=[jax.ShapeDtypeStruct((_B, _H, _W, _C), jnp.float32),
                   jax.ShapeDtypeStruct((8, 128), jnp.float32)],
        scratch_shapes=[pltpu.VMEM((_NVQ, _VD, _K), jnp.bfloat16),
                        pltpu.VMEM((_H, _FIX, _C), jnp.bfloat16)],
    )(z4, wd2, Wu, E)

    zq_out = out.reshape(_B, _SEQ, _C)
    loss = lossb[0, 0] * (_COMMIT / (_NROW * _VD * _NVQ))
    return zq_out, loss

# --- scband reference (transcript-rebuilt; emitter-appended) ---
"""Pipeline reference for scband-group-vq-77386720740039 (READ-ONLY COPY).

The authoritative reference and input builder live on the scoring server;
editing this copy changes nothing except your own understanding.
"""

import jax, jax.numpy as jnp
import numpy as np

B, SEQ, C, H = 32, 4096, 192, 4
W = SEQ // H  # 1024
FIX = 384    # get_multiple(192*4//2, 6) = 384
OVL = 4
NVQ = 6
K = 1024
VD = 256     # overlap*fix_dim // num_vqs = 1536 // 6
COMMIT = 0.25


def setup_inputs(seed: int = 0) -> dict:
    key = jax.random.key(seed)
    k1, k2, k3, k4 = jax.random.split(key, 4)
    z = jax.random.normal(k1, (B, SEQ, C), dtype=jnp.float32)
    # proj_down weight stored as (in, out) so we can do z @ Wd
    Wd = jax.random.normal(k2, (C * H, FIX), dtype=jnp.float32) * (1.0 / np.sqrt(C * H))
    # proj_up weight stored as (in, out)
    Wu = jax.random.normal(k3, (FIX, C * H), dtype=jnp.float32) * (1.0 / np.sqrt(FIX))
    # stacked codebooks: (num_vqs, embedding_size, num_embedding), matching torch buffer layout
    E = jax.random.normal(k4, (NVQ, VD, K), dtype=jnp.float32)
    return {"z": z, "Wd": Wd, "Wu": Wu, "E": E}


def _forward(z, Wd, Wu, E, training=True):
    b = z.shape[0]
    # pre_process, dim == 3 path: (B, H*W, C) -> (B, H, W, C) -> (B, W, C, H) -> (B, W, C*H)
    z4 = z.reshape(b, H, W, C)
    z4 = jnp.transpose(z4, (0, 2, 3, 1))
    zp = z4.reshape(b, W, C * H)
    zp = zp @ Wd  # proj_down -> (B, W, FIX)
    # overlap folding: (B, W//OVL, OVL*FIX)
    zo = zp.reshape(b, W // OVL, OVL, FIX).reshape(b, W // OVL, OVL * FIX)

    zq_list = []
    loss = jnp.float32(0.0)
    for i in range(NVQ):
        zi = zo[:, :, i * VD:(i + 1) * VD]
        zf = zi.reshape(-1, VD)
        Ei = E[i]  # (VD, K)
        dist = (jnp.sum(zf * zf, axis=1, keepdims=True)
                - 2.0 * (zf @ Ei)
                + jnp.sum(Ei * Ei, axis=0, keepdims=True))
        idx = jnp.argmin(dist, axis=1)
        code = idx.reshape(zi.shape[:-1])
        zq_i = jnp.take(Ei.T, code, axis=0)  # dequantize via embedding gather
        if training:
            # straight-through estimator: z + (z_q - z).detach()
            zq_i = zi + jax.lax.stop_gradient(zq_i - zi)
        loss = loss + COMMIT * jnp.mean((jax.lax.stop_gradient(zq_i) - zi) ** 2)
        zq_list.append(zq_i)

    zq = jnp.concatenate(zq_list, axis=-1)  # (B, W//OVL, OVL*FIX)
    # post_process: unfold overlap
    zq = zq.reshape(b, -1, OVL, FIX).reshape(b, -1, FIX)  # (B, W, FIX)
    zq = zq @ Wu  # proj_up -> (B, W, C*H)
    zq = zq.reshape(b, -1, C, H)          # (B, W, C, H)
    zq = jnp.transpose(zq, (0, 3, 1, 2))  # (B, H, W, C)
    zq = zq.reshape(b, -1, C)             # (B, H*W, C)
    return zq, loss / NVQ


def reference(z, Wd, Wu, E):
    return _forward(z, Wd, Wu, E)

if __name__ == "__main__":
    import jax
    _d = setup_inputs()
    print(jax.jit(kernel)(*tuple(_d.values())))

</pallas_src>

<mosaic_0001>
module attributes {stable_mosaic.version = 14 : i64} {
  func.func @_fused_kernel(%arg0: i32, %arg1: memref<1x4x1024x192xf32, #tpu.memory_space<vmem>>, %arg2: memref<192x1536xf32, #tpu.memory_space<vmem>>, %arg3: memref<384x768xf32, #tpu.memory_space<vmem>>, %arg4: memref<6x256x1024xf32, #tpu.memory_space<vmem>>, %arg5: memref<1x4x1024x192xf32, #tpu.memory_space<vmem>>, %arg6: memref<8x128xf32, #tpu.memory_space<vmem>>, %arg7: memref<6x256x1024xbf16, #tpu.memory_space<vmem>>, %arg8: memref<4x384x192xbf16, #tpu.memory_space<vmem>>) attributes {dimension_semantics = [#tpu.dimension_semantics<arbitrary>], iteration_bounds = array<i64: 32>, scalar_prefetch = 0 : i64, scratch_operands = 2 : i64, tpu.core_type = #tpu.core_type<tc>, window_params = [{transform_indices = @transform_0, window_bounds = array<i64: 1, 4, 1024, 192>}, {pipeline_mode = #tpu.pipeline_mode<synchronous>, transform_indices = @transform_1, window_bounds = array<i64: 192, 1536>}, {pipeline_mode = #tpu.pipeline_mode<synchronous>, transform_indices = @transform_2, window_bounds = array<i64: 384, 768>}, {pipeline_mode = #tpu.pipeline_mode<synchronous>, transform_indices = @transform_3, window_bounds = array<i64: 6, 256, 1024>}, {transform_indices = @transform_4, window_bounds = array<i64: 1, 4, 1024, 192>}, {pipeline_mode = #tpu.pipeline_mode<synchronous>, transform_indices = @transform_5, window_bounds = array<i64: 8, 128>}]} {
    %eq3A = arith.constant 0 : i32
    %eq3A_0 = arith.cmpi eq, %arg0, %eq3A : i32
    %convert_element_type3A = arith.extui %eq3A_0 : i1 to i32
    %cond3A = arith.constant 0 : i32
    %cond3A_1 = arith.cmpi ne, %convert_element_type3A, %cond3A : i32
    scf.if %cond3A_1 {
      %get3A_389 = arith.constant 0 : index
      %get3A_390 = arith.constant 0 : index
      %get3A_391 = arith.constant 0 : index
      %get3A_392 = vector.load %arg4[%get3A_389, %get3A_390, %get3A_391] : memref<6x256x1024xf32, #tpu.memory_space<vmem>>, vector<6x256x1024xf32>
      %convert_element_type3A_393 = arith.truncf %get3A_392 : vector<6x256x1024xf32> to vector<6x256x1024xbf16>
      %swap3A_394 = arith.constant 0 : index
      %swap3A_395 = arith.constant 0 : index
      %swap3A_396 = arith.constant 0 : index
      %swap3A_397 = vector.load %arg7[%swap3A_394, %swap3A_395, %swap3A_396] : memref<6x256x1024xbf16, #tpu.memory_space<vmem>>, vector<6x256x1024xbf16>
      tpu.vector_store %arg7[%swap3A_394, %swap3A_395, %swap3A_396], %convert_element_type3A_393 {strides = array<i32>} : memref<6x256x1024xbf16, #tpu.memory_space<vmem>>, vector<6x256x1024xbf16>,
      %iota3A_398 = tpu.iota {dimensions = array<i32: 0>} : vector<768x192xi32>
      %iota3A_399 = tpu.iota {dimensions = array<i32: 1>} : vector<768x192xi32>
      %mul3A_400 = arith.constant 4 : i32
      %mul3A_401 = vector.broadcast %mul3A_400 : i32 to vector<768x192xi32>
      %mul3A_402 = arith.muli %iota3A_399, %mul3A_401 : vector<768x192xi32>
      %add3A_403 = arith.constant 0 : i32
      %add3A_404 = vector.broadcast %add3A_403 : i32 to vector<768x192xi32>
      %add3A_405 = arith.addi %mul3A_402, %add3A_404 : vector<768x192xi32>
      %eq3A_406 = arith.cmpi eq, %iota3A_398, %add3A_405 : vector<768x192xi32>
      %convert_element_type3A_407 = arith.extui %eq3A_406 : vector<768x192xi1> to vector<768x192xi32>
      %convert_element_type3A_408 = arith.sitofp %convert_element_type3A_407 : vector<768x192xi32> to vector<768x192xf32>
      %get3A_409 = arith.constant 0 : index
      %get3A_410 = arith.constant 0 : index
      %get3A_411 = vector.load %arg3[%get3A_409, %get3A_410] : memref<384x768xf32, #tpu.memory_space<vmem>>, vector<384x768xf32>
      %dot_general3A_412 = arith.constant dense<0.000000e+00> : vector<384x192xf32>
      %dot_general3A_413 = tpu.matmul %get3A_411, %convert_element_type3A_408, %dot_general3A_412 {dimension_numbers = #tpu.dot_dimension_numbers<[1], [0], [0], [1], [0, 0, 1, 1], [], []>, transpose_lhs_hint = false} : vector<384x768xf32>, vector<768x192xf32>, vector<384x192xf32> -> vector<384x192xf32>
      %convert_element_type3A_414 = arith.truncf %dot_general3A_413 : vector<384x192xf32> to vector<384x192xbf16>
      %swap3A_415 = arith.constant 0 : index
      %swap3A_416 = arith.constant 0 : index
      %swap3A_417 = arith.constant 0 : index
      %swap3A_418 = vector.load %arg8[%swap3A_415, %swap3A_416, %swap3A_417] : memref<4x384x192xbf16, #tpu.memory_space<vmem>>, vector<1x384x192xbf16>
      %swap3A_419 = vector.shape_cast %swap3A_418 : vector<1x384x192xbf16> to vector<384x192xbf16>
      %swap3A_420 = vector.shape_cast %convert_element_type3A_414 : vector<384x192xbf16> to vector<1x384x192xbf16>
      tpu.vector_store %arg8[%swap3A_415, %swap3A_416, %swap3A_417], %swap3A_420 {strides = array<i32>} : memref<4x384x192xbf16, #tpu.memory_space<vmem>>, vector<1x384x192xbf16>,
      %mul3A_421 = arith.constant 4 : i32
      %mul3A_422 = vector.broadcast %mul3A_421 : i32 to vector<768x192xi32>
      %mul3A_423 = arith.muli %iota3A_399, %mul3A_422 : vector<768x192xi32>
      %add3A_424 = arith.constant 1 : i32
      %add3A_425 = vector.broadcast %add3A_424 : i32 to vector<768x192xi32>
      %add3A_426 = arith.addi %mul3A_423, %add3A_425 : vector<768x192xi32>
      %eq3A_427 = arith.cmpi eq, %iota3A_398, %add3A_426 : vector<768x192xi32>
      %convert_element_type3A_428 = arith.extui %eq3A_427 : vector<768x192xi1> to vector<768x192xi32>
      %convert_element_type3A_429 = arith.sitofp %convert_element_type3A_428 : vector<768x192xi32> to vector<768x192xf32>
      %get3A_430 = arith.constant 0 : index
      %get3A_431 = arith.constant 0 : index
      %get3A_432 = vector.load %arg3[%get3A_430, %get3A_431] : memref<384x768xf32, #tpu.memory_space<vmem>>, vector<384x768xf32>
      %dot_general3A_433 = arith.constant dense<0.000000e+00> : vector<384x192xf32>
      %dot_general3A_434 = tpu.matmul %get3A_432, %convert_element_type3A_429, %dot_general3A_433 {dimension_numbers = #tpu.dot_dimension_numbers<[1], [0], [0], [1], [0, 0, 1, 1], [], []>, transpose_lhs_hint = false} : vector<384x768xf32>, vector<768x192xf32>, vector<384x192xf32> -> vector<384x192xf32>
      %convert_element_type3A_435 = arith.truncf %dot_general3A_434 : vector<384x192xf32> to vector<384x192xbf16>
      %swap3A_436 = arith.constant 1 : index
      %swap3A_437 = arith.constant 0 : index
      %swap3A_438 = arith.constant 0 : index
      %swap3A_439 = vector.load %arg8[%swap3A_436, %swap3A_437, %swap3A_438] : memref<4x384x192xbf16, #tpu.memory_space<vmem>>, vector<1x384x192xbf16>
      %swap3A_440 = vector.shape_cast %swap3A_439 : vector<1x384x192xbf16> to vector<384x192xbf16>
      %swap3A_441 = vector.shape_cast %convert_element_type3A_435 : vector<384x192xbf16> to vector<1x384x192xbf16>
      tpu.vector_store %arg8[%swap3A_436, %swap3A_437, %swap3A_438], %swap3A_441 {strides = array<i32>} : memref<4x384x192xbf16, #tpu.memory_space<vmem>>, vector<1x384x192xbf16>,
      %mul3A_442 = arith.constant 4 : i32
      %mul3A_443 = vector.broadcast %mul3A_442 : i32 to vector<768x192xi32>
      %mul3A_444 = arith.muli %iota3A_399, %mul3A_443 : vector<768x192xi32>
      %add3A_445 = arith.constant 2 : i32
      %add3A_446 = vector.broadcast %add3A_445 : i32 to vector<768x192xi32>
      %add3A_447 = arith.addi %mul3A_444, %add3A_446 : vector<768x192xi32>
      %eq3A_448 = arith.cmpi eq, %iota3A_398, %add3A_447 : vector<768x192xi32>
      %convert_element_type3A_449 = arith.extui %eq3A_448 : vector<768x192xi1> to vector<768x192xi32>
      %convert_element_type3A_450 = arith.sitofp %convert_element_type3A_449 : vector<768x192xi32> to vector<768x192xf32>
      %get3A_451 = arith.constant 0 : index
      %get3A_452 = arith.constant 0 : index
      %get3A_453 = vector.load %arg3[%get3A_451, %get3A_452] : memref<384x768xf32, #tpu.memory_space<vmem>>, vector<384x768xf32>
      %dot_general3A_454 = arith.constant dense<0.000000e+00> : vector<384x192xf32>
      %dot_general3A_455 = tpu.matmul %get3A_453, %convert_element_type3A_450, %dot_general3A_454 {dimension_numbers = #tpu.dot_dimension_numbers<[1], [0], [0], [1], [0, 0, 1, 1], [], []>, transpose_lhs_hint = false} : vector<384x768xf32>, vector<768x192xf32>, vector<384x192xf32> -> vector<384x192xf32>
      %convert_element_type3A_456 = arith.truncf %dot_general3A_455 : vector<384x192xf32> to vector<384x192xbf16>
      %swap3A_457 = arith.constant 2 : index
      %swap3A_458 = arith.constant 0 : index
      %swap3A_459 = arith.constant 0 : index
      %swap3A_460 = vector.load %arg8[%swap3A_457, %swap3A_458, %swap3A_459] : memref<4x384x192xbf16, #tpu.memory_space<vmem>>, vector<1x384x192xbf16>
      %swap3A_461 = vector.shape_cast %swap3A_460 : vector<1x384x192xbf16> to vector<384x192xbf16>
      %swap3A_462 = vector.shape_cast %convert_element_type3A_456 : vector<384x192xbf16> to vector<1x384x192xbf16>
      tpu.vector_store %arg8[%swap3A_457, %swap3A_458, %swap3A_459], %swap3A_462 {strides = array<i32>} : memref<4x384x192xbf16, #tpu.memory_space<vmem>>, vector<1x384x192xbf16>,
      %mul3A_463 = arith.constant 4 : i32
      %mul3A_464 = vector.broadcast %mul3A_463 : i32 to vector<768x192xi32>
      %mul3A_465 = arith.muli %iota3A_399, %mul3A_464 : vector<768x192xi32>
      %add3A_466 = arith.constant 3 : i32
      %add3A_467 = vector.broadcast %add3A_466 : i32 to vector<768x192xi32>
      %add3A_468 = arith.addi %mul3A_465, %add3A_467 : vector<768x192xi32>
      %eq3A_469 = arith.cmpi eq, %iota3A_398, %add3A_468 : vector<768x192xi32>
      %convert_element_type3A_470 = arith.extui %eq3A_469 : vector<768x192xi1> to vector<768x192xi32>
      %convert_element_type3A_471 = arith.sitofp %convert_element_type3A_470 : vector<768x192xi32> to vector<768x192xf32>
      %get3A_472 = arith.constant 0 : index
      %get3A_473 = arith.constant 0 : index
      %get3A_474 = vector.load %arg3[%get3A_472, %get3A_473] : memref<384x768xf32, #tpu.memory_space<vmem>>, vector<384x768xf32>
      %dot_general3A_475 = arith.constant dense<0.000000e+00> : vector<384x192xf32>
      %dot_general3A_476 = tpu.matmul %get3A_474, %convert_element_type3A_471, %dot_general3A_475 {dimension_numbers = #tpu.dot_dimension_numbers<[1], [0], [0], [1], [0, 0, 1, 1], [], []>, transpose_lhs_hint = false} : vector<384x768xf32>, vector<768x192xf32>, vector<384x192xf32> -> vector<384x192xf32>
      %convert_element_type3A_477 = arith.truncf %dot_general3A_476 : vector<384x192xf32> to vector<384x192xbf16>
      %swap3A_478 = arith.constant 3 : index
      %swap3A_479 = arith.constant 0 : index
      %swap3A_480 = arith.constant 0 : index
      %swap3A_481 = vector.load %arg8[%swap3A_478, %swap3A_479, %swap3A_480] : memref<4x384x192xbf16, #tpu.memory_space<vmem>>, vector<1x384x192xbf16>
      %swap3A_482 = vector.shape_cast %swap3A_481 : vector<1x384x192xbf16> to vector<384x192xbf16>
      %swap3A_483 = vector.shape_cast %convert_element_type3A_477 : vector<384x192xbf16> to vector<1x384x192xbf16>
      tpu.vector_store %arg8[%swap3A_478, %swap3A_479, %swap3A_480], %swap3A_483 {strides = array<i32>} : memref<4x384x192xbf16, #tpu.memory_space<vmem>>, vector<1x384x192xbf16>,
    } else {
    }
    %broadcast_in_dim3A = arith.constant 0.000000e+00 : f32
    %broadcast_in_dim3A_2 = vector.broadcast %broadcast_in_dim3A : f32 to vector<1024x384xf32>
    %get3A = arith.constant 0 : index
    %get3A_3 = arith.constant 0 : index
    %get3A_4 = arith.constant 0 : index
    %get3A_5 = arith.constant 0 : index
    %get3A_6 = vector.load %arg1[%get3A, %get3A_3, %get3A_4, %get3A_5] : memref<1x4x1024x192xf32, #tpu.memory_space<vmem>>, vector<1x1x1024x192xf32>
    %get3A_7 = vector.shape_cast %get3A_6 : vector<1x1x1024x192xf32> to vector<1024x192xf32>
    %get3A_8 = arith.constant 0 : index
    %get3A_9 = arith.constant 0 : index
    %get3A_10 = vector.load %arg2[%get3A_8, %get3A_9] : memref<192x1536xf32, #tpu.memory_space<vmem>>, vector<192x384xf32>
    %dot_general3A = arith.constant dense<0.000000e+00> : vector<1024x384xf32>
    %dot_general3A_11 = tpu.matmul %get3A_7, %get3A_10, %dot_general3A {dimension_numbers = #tpu.dot_dimension_numbers<[1], [0], [0], [1], [0, 0, 1, 1], [], []>, transpose_lhs_hint = false} : vector<1024x192xf32>, vector<192x384xf32>, vector<1024x384xf32> -> vector<1024x384xf32>
    %add3A = arith.addf %broadcast_in_dim3A_2, %dot_general3A_11 : vector<1024x384xf32>
    %get3A_12 = arith.constant 0 : index
    %get3A_13 = arith.constant 1 : index
    %get3A_14 = arith.constant 0 : index
    %get3A_15 = arith.constant 0 : index
    %get3A_16 = vector.load %arg1[%get3A_12, %get3A_13, %get3A_14, %get3A_15] : memref<1x4x1024x192xf32, #tpu.memory_space<vmem>>, vector<1x1x1024x192xf32>
    %get3A_17 = vector.shape_cast %get3A_16 : vector<1x1x1024x192xf32> to vector<1024x192xf32>
    %get3A_18 = arith.constant 0 : index
    %get3A_19 = arith.constant 384 : index
    %get3A_20 = vector.load %arg2[%get3A_18, %get3A_19] : memref<192x1536xf32, #tpu.memory_space<vmem>>, vector<192x384xf32>
    %dot_general3A_21 = arith.constant dense<0.000000e+00> : vector<1024x384xf32>
    %dot_general3A_22 = tpu.matmul %get3A_17, %get3A_20, %dot_general3A_21 {dimension_numbers = #tpu.dot_dimension_numbers<[1], [0], [0], [1], [0, 0, 1, 1], [], []>, transpose_lhs_hint = false} : vector<1024x192xf32>, vector<192x384xf32>, vector<1024x384xf32> -> vector<1024x384xf32>
    %add3A_23 = arith.addf %add3A, %dot_general3A_22 : vector<1024x384xf32>
    %get3A_24 = arith.constant 0 : index
    %get3A_25 = arith.constant 2 : index
    %get3A_26 = arith.constant 0 : index
    %get3A_27 = arith.constant 0 : index
    %get3A_28 = vector.load %arg1[%get3A_24, %get3A_25, %get3A_26, %get3A_27] : memref<1x4x1024x192xf32, #tpu.memory_space<vmem>>, vector<1x1x1024x192xf32>
    %get3A_29 = vector.shape_cast %get3A_28 : vector<1x1x1024x192xf32> to vector<1024x192xf32>
    %get3A_30 = arith.constant 0 : index
    %get3A_31 = arith.constant 768 : index
    %get3A_32 = vector.load %arg2[%get3A_30, %get3A_31] : memref<192x1536xf32, #tpu.memory_space<vmem>>, vector<192x384xf32>
    %dot_general3A_33 = arith.constant dense<0.000000e+00> : vector<1024x384xf32>
    %dot_general3A_34 = tpu.matmul %get3A_29, %get3A_32, %dot_general3A_33 {dimension_numbers = #tpu.dot_dimension_numbers<[1], [0], [0], [1], [0, 0, 1, 1], [], []>, transpose_lhs_hint = false} : vector<1024x192xf32>, vector<192x384xf32>, vector<1024x384xf32> -> vector<1024x384xf32>
    %add3A_35 = arith.addf %add3A_23, %dot_general3A_34 : vector<1024x384xf32>
    %get3A_36 = arith.constant 0 : index
    %get3A_37 = arith.constant 3 : index
    %get3A_38 = arith.constant 0 : index
    %get3A_39 = arith.constant 0 : index
    %get3A_40 = vector.load %arg1[%get3A_36, %get3A_37, %get3A_38, %get3A_39] : memref<1x4x1024x192xf32, #tpu.memory_space<vmem>>, vector<1x1x1024x192xf32>
    %get3A_41 = vector.shape_cast %get3A_40 : vector<1x1x1024x192xf32> to vector<1024x192xf32>
    %get3A_42 = arith.constant 0 : index
    %get3A_43 = arith.constant 1152 : index
    %get3A_44 = vector.load %arg2[%get3A_42, %get3A_43] : memref<192x1536xf32, #tpu.memory_space<vmem>>, vector<192x384xf32>
    %dot_general3A_45 = arith.constant dense<0.000000e+00> : vector<1024x384xf32>
    %dot_general3A_46 = tpu.matmul %get3A_41, %get3A_44, %dot_general3A_45 {dimension_numbers = #tpu.dot_dimension_numbers<[1], [0], [0], [1], [0, 0, 1, 1], [], []>, transpose_lhs_hint = false} : vector<1024x192xf32>, vector<192x384xf32>, vector<1024x384xf32> -> vector<1024x384xf32>
    %add3A_47 = arith.addf %add3A_35, %dot_general3A_46 : vector<1024x384xf32>
    %reshape3A = vector.shape_cast %add3A_47 : vector<1024x384xf32> to vector<256x1536xf32>
    %slice3A = vector.extract_strided_slice %reshape3A {offsets = [0, 0], sizes = [256, 256], strides = [1, 1]} : vector<256x1536xf32> to vector<256x256xf32>
    %get3A_48 = arith.constant 0 : index
    %get3A_49 = arith.constant 0 : index
    %get3A_50 = arith.constant 0 : index
    %get3A_51 = vector.load %arg4[%get3A_48, %get3A_49, %get3A_50] : memref<6x256x1024xf32, #tpu.memory_space<vmem>>, vector<1x256x1024xf32>
    %get3A_52 = vector.shape_cast %get3A_51 : vector<1x256x1024xf32> to vector<256x1024xf32>
    %mul3A = arith.mulf %slice3A, %slice3A : vector<256x256xf32>
    %reduce_sum3A = arith.constant dense<0.000000e+00> : vector<256xf32>
    %reduce_sum3A_53 = vector.multi_reduction <add>, %mul3A, %reduce_sum3A [1] : vector<256x256xf32> to vector<256xf32>
    %broadcast_in_dim3A_54 = vector.shape_cast %reduce_sum3A_53 : vector<256xf32> to vector<256x1xf32>
    %mul3A_55 = arith.mulf %get3A_52, %get3A_52 : vector<256x1024xf32>
    %reduce_sum3A_56 = arith.constant dense<0.000000e+00> : vector<1024xf32>
    %reduce_sum3A_57 = vector.multi_reduction <add>, %mul3A_55, %reduce_sum3A_56 [0] : vector<256x1024xf32> to vector<1024xf32>
    %broadcast_in_dim3A_58 = vector.shape_cast %reduce_sum3A_57 : vector<1024xf32> to vector<1x1024xf32>
    %dot_general3A_59 = arith.constant dense<0.000000e+00> : vector<256x1024xf32>
    %dot_general3A_60 = tpu.matmul %slice3A, %get3A_52, %dot_general3A_59 {dimension_numbers = #tpu.dot_dimension_numbers<[1], [0], [0], [1], [0, 0, 1, 1], [], []>, transpose_lhs_hint = false} : vector<256x256xf32>, vector<256x1024xf32>, vector<256x1024xf32> -> vector<256x1024xf32>
    %mul3A_61 = arith.constant 2.000000e+00 : f32
    %mul3A_62 = vector.broadcast %mul3A_61 : f32 to vector<256x1024xf32>
    %mul3A_63 = arith.mulf %mul3A_62, %dot_general3A_60 : vector<256x1024xf32>
    %sub3A = vector.broadcast %broadcast_in_dim3A_54 : vector<256x1xf32> to vector<256x1024xf32>
    %sub3A_64 = arith.subf %sub3A, %mul3A_63 : vector<256x1024xf32>
    %add3A_65 = vector.broadcast %broadcast_in_dim3A_58 : vector<1x1024xf32> to vector<256x1024xf32>
    %add3A_66 = arith.addf %sub3A_64, %add3A_65 : vector<256x1024xf32>
    %argmin3A = tpu.reduce_index %add3A_66 {axis = 1 : i32, kind = #tpu.reduction_kind<arg_min>} : vector<256x1024xf32> -> vector<256xi32>
    %reduce_min3A = arith.constant dense<0x7F800000> : vector<256xf32>
    %reduce_min3A_67 = vector.multi_reduction <minimumf>, %add3A_66, %reduce_min3A [1] : vector<256x1024xf32> to vector<256xf32>
    %reduce_sum3A_68 = vector.shape_cast %reduce_min3A_67 : vector<256xf32> to vector<1x256xf32>
    %reduce_sum3A_69 = arith.constant dense<0.000000e+00> : vector<1xf32>
    %reduce_sum3A_70 = vector.multi_reduction <add>, %reduce_sum3A_68, %reduce_sum3A_69 [1] : vector<1x256xf32> to vector<1xf32>
    %reduce_sum3A_71 = vector.shape_cast %reduce_sum3A_70 : vector<1xf32> to vector<1x1xf32>
    %reduce_sum3A_72 = vector.extract %reduce_sum3A_71[0, 0] : f32 from vector<1x1xf32>
    %add3A_73 = arith.constant 0.000000e+00 : f32
    %add3A_74 = arith.addf %add3A_73, %reduce_sum3A_72 : f32
    %iota3A = tpu.iota {dimensions = array<i32: 1>} : vector<256x1024xi32>
    %broadcast_in_dim3A_75 = vector.shape_cast %argmin3A : vector<256xi32> to vector<256x1xi32>
    %eq3A_76 = vector.broadcast %broadcast_in_dim3A_75 : vector<256x1xi32> to vector<256x1024xi32>
    %eq3A_77 = arith.cmpi eq, %iota3A, %eq3A_76 : vector<256x1024xi32>
    %convert_element_type3A_78 = arith.extui %eq3A_77 : vector<256x1024xi1> to vector<256x1024xi32>
    %convert_element_type3A_79 = arith.sitofp %convert_element_type3A_78 : vector<256x1024xi32> to vector<256x1024xf32>
    %convert_element_type3A_80 = arith.truncf %convert_element_type3A_79 : vector<256x1024xf32> to vector<256x1024xbf16>
    %get3A_81 = arith.constant 0 : index
    %get3A_82 = arith.constant 0 : index
    %get3A_83 = arith.constant 0 : index
    %get3A_84 = vector.load %arg7[%get3A_81, %get3A_82, %get3A_83] : memref<6x256x1024xbf16, #tpu.memory_space<vmem>>, vector<1x256x1024xbf16>
    %get3A_85 = vector.shape_cast %get3A_84 : vector<1x256x1024xbf16> to vector<256x1024xbf16>
    %dot_general3A_86 = arith.constant dense<0.000000e+00> : vector<256x256xf32>
    %dot_general3A_87 = tpu.matmul %convert_element_type3A_80, %get3A_85, %dot_general3A_86 {dimension_numbers = #tpu.dot_dimension_numbers<[1], [1], [0], [0], [0, 0, 1, 0], [], []>, transpose_lhs_hint = false} : vector<256x1024xbf16>, vector<256x1024xbf16>, vector<256x256xf32> -> vector<256x256xf32>
    %convert_element_type3A_88 = arith.truncf %dot_general3A_87 : vector<256x256xf32> to vector<256x256xbf16>
    %slice3A_89 = vector.extract_strided_slice %reshape3A {offsets = [0, 256], sizes = [256, 256], strides = [1, 1]} : vector<256x1536xf32> to vector<256x256xf32>
    %get3A_90 = arith.constant 1 : index
    %get3A_91 = arith.constant 0 : index
    %get3A_92 = arith.constant 0 : index
    %get3A_93 = vector.load %arg4[%get3A_90, %get3A_91, %get3A_92] : memref<6x256x1024xf32, #tpu.memory_space<vmem>>, vector<1x256x1024xf32>
    %get3A_94 = vector.shape_cast %get3A_93 : vector<1x256x1024xf32> to vector<256x1024xf32>
    %mul3A_95 = arith.mulf %slice3A_89, %slice3A_89 : vector<256x256xf32>
    %reduce_sum3A_96 = arith.constant dense<0.000000e+00> : vector<256xf32>
    %reduce_sum3A_97 = vector.multi_reduction <add>, %mul3A_95, %reduce_sum3A_96 [1] : vector<256x256xf32> to vector<256xf32>
    %broadcast_in_dim3A_98 = vector.shape_cast %reduce_sum3A_97 : vector<256xf32> to vector<256x1xf32>
    %mul3A_99 = arith.mulf %get3A_94, %get3A_94 : vector<256x1024xf32>
    %reduce_sum3A_100 = arith.constant dense<0.000000e+00> : vector<1024xf32>
    %reduce_sum3A_101 = vector.multi_reduction <add>, %mul3A_99, %reduce_sum3A_100 [0] : vector<256x1024xf32> to vector<1024xf32>
    %broadcast_in_dim3A_102 = vector.shape_cast %reduce_sum3A_101 : vector<1024xf32> to vector<1x1024xf32>
    %dot_general3A_103 = arith.constant dense<0.000000e+00> : vector<256x1024xf32>
    %dot_general3A_104 = tpu.matmul %slice3A_89, %get3A_94, %dot_general3A_103 {dimension_numbers = #tpu.dot_dimension_numbers<[1], [0], [0], [1], [0, 0, 1, 1], [], []>, transpose_lhs_hint = false} : vector<256x256xf32>, vector<256x1024xf32>, vector<256x1024xf32> -> vector<256x1024xf32>
    %mul3A_105 = arith.constant 2.000000e+00 : f32
    %mul3A_106 = vector.broadcast %mul3A_105 : f32 to vector<256x1024xf32>
    %mul3A_107 = arith.mulf %mul3A_106, %dot_general3A_104 : vector<256x1024xf32>
    %sub3A_108 = vector.broadcast %broadcast_in_dim3A_98 : vector<256x1xf32> to vector<256x1024xf32>
    %sub3A_109 = arith.subf %sub3A_108, %mul3A_107 : vector<256x1024xf32>
    %add3A_110 = vector.broadcast %broadcast_in_dim3A_102 : vector<1x1024xf32> to vector<256x1024xf32>
    %add3A_111 = arith.addf %sub3A_109, %add3A_110 : vector<256x1024xf32>
    %argmin3A_112 = tpu.reduce_index %add3A_111 {axis = 1 : i32, kind = #tpu.reduction_kind<arg_min>} : vector<256x1024xf32> -> vector<256xi32>
    %reduce_min3A_113 = arith.constant dense<0x7F800000> : vector<256xf32>
    %reduce_min3A_114 = vector.multi_reduction <minimumf>, %add3A_111, %reduce_min3A_113 [1] : vector<256x1024xf32> to vector<256xf32>
    %reduce_sum3A_115 = vector.shape_cast %reduce_min3A_114 : vector<256xf32> to vector<1x256xf32>
    %reduce_sum3A_116 = arith.constant dense<0.000000e+00> : vector<1xf32>
    %reduce_sum3A_117 = vector.multi_reduction <add>, %reduce_sum3A_115, %reduce_sum3A_116 [1] : vector<1x256xf32> to vector<1xf32>
    %reduce_sum3A_118 = vector.shape_cast %reduce_sum3A_117 : vector<1xf32> to vector<1x1xf32>
    %reduce_sum3A_119 = vector.extract %reduce_sum3A_118[0, 0] : f32 from vector<1x1xf32>
    %add3A_120 = arith.addf %add3A_74, %reduce_sum3A_119 : f32
    %iota3A_121 = tpu.iota {dimensions = array<i32: 1>} : vector<256x1024xi32>
    %broadcast_in_dim3A_122 = vector.shape_cast %argmin3A_112 : vector<256xi32> to vector<256x1xi32>
    %eq3A_123 = vector.broadcast %broadcast_in_dim3A_122 : vector<256x1xi32> to vector<256x1024xi32>
    %eq3A_124 = arith.cmpi eq, %iota3A_121, %eq3A_123 : vector<256x1024xi32>
    %convert_element_type3A_125 = arith.extui %eq3A_124 : vector<256x1024xi1> to vector<256x1024xi32>
    %convert_element_type3A_126 = arith.sitofp %convert_element_type3A_125 : vector<256x1024xi32> to vector<256x1024xf32>
    %convert_element_type3A_127 = arith.truncf %convert_element_type3A_126 : vector<256x1024xf32> to vector<256x1024xbf16>
    %get3A_128 = arith.constant 1 : index
    %get3A_129 = arith.constant 0 : index
    %get3A_130 = arith.constant 0 : index
    %get3A_131 = vector.load %arg7[%get3A_128, %get3A_129, %get3A_130] : memref<6x256x1024xbf16, #tpu.memory_space<vmem>>, vector<1x256x1024xbf16>
    %get3A_132 = vector.shape_cast %get3A_131 : vector<1x256x1024xbf16> to vector<256x1024xbf16>
    %dot_general3A_133 = arith.constant dense<0.000000e+00> : vector<256x256xf32>
    %dot_general3A_134 = tpu.matmul %convert_element_type3A_127, %get3A_132, %dot_general3A_133 {dimension_numbers = #tpu.dot_dimension_numbers<[1], [1], [0], [0], [0, 0, 1, 0], [], []>, transpose_lhs_hint = false} : vector<256x1024xbf16>, vector<256x1024xbf16>, vector<256x256xf32> -> vector<256x256xf32>
    %convert_element_type3A_135 = arith.truncf %dot_general3A_134 : vector<256x256xf32> to vector<256x256xbf16>
    %slice3A_136 = vector.extract_strided_slice %reshape3A {offsets = [0, 512], sizes = [256, 256], strides = [1, 1]} : vector<256x1536xf32> to vector<256x256xf32>
    %get3A_137 = arith.constant 2 : index
    %get3A_138 = arith.constant 0 : index
    %get3A_139 = arith.constant 0 : index
    %get3A_140 = vector.load %arg4[%get3A_137, %get3A_138, %get3A_139] : memref<6x256x1024xf32, #tpu.memory_space<vmem>>, vector<1x256x1024xf32>
    %get3A_141 = vector.shape_cast %get3A_140 : vector<1x256x1024xf32> to vector<256x1024xf32>
    %mul3A_142 = arith.mulf %slice3A_136, %slice3A_136 : vector<256x256xf32>
    %reduce_sum3A_143 = arith.constant dense<0.000000e+00> : vector<256xf32>
    %reduce_sum3A_144 = vector.multi_reduction <add>, %mul3A_142, %reduce_sum3A_143 [1] : vector<256x256xf32> to vector<256xf32>
    %broadcast_in_dim3A_145 = vector.shape_cast %reduce_sum3A_144 : vector<256xf32> to vector<256x1xf32>
    %mul3A_146 = arith.mulf %get3A_141, %get3A_141 : vector<256x1024xf32>
    %reduce_sum3A_147 = arith.constant dense<0.000000e+00> : vector<1024xf32>
    %reduce_sum3A_148 = vector.multi_reduction <add>, %mul3A_146, %reduce_sum3A_147 [0] : vector<256x1024xf32> to vector<1024xf32>
    %broadcast_in_dim3A_149 = vector.shape_cast %reduce_sum3A_148 : vector<1024xf32> to vector<1x1024xf32>
    %dot_general3A_150 = arith.constant dense<0.000000e+00> : vector<256x1024xf32>
    %dot_general3A_151 = tpu.matmul %slice3A_136, %get3A_141, %dot_general3A_150 {dimension_numbers = #tpu.dot_dimension_numbers<[1], [0], [0], [1], [0, 0, 1, 1], [], []>, transpose_lhs_hint = false} : vector<256x256xf32>, vector<256x1024xf32>, vector<256x1024xf32> -> vector<256x1024xf32>
    %mul3A_152 = arith.constant 2.000000e+00 : f32
    %mul3A_153 = vector.broadcast %mul3A_152 : f32 to vector<256x1024xf32>
    %mul3A_154 = arith.mulf %mul3A_153, %dot_general3A_151 : vector<256x1024xf32>
    %sub3A_155 = vector.broadcast %broadcast_in_dim3A_145 : vector<256x1xf32> to vector<256x1024xf32>
    %sub3A_156 = arith.subf %sub3A_155, %mul3A_154 : vector<256x1024xf32>
    %add3A_157 = vector.broadcast %broadcast_in_dim3A_149 : vector<1x1024xf32> to vector<256x1024xf32>
    %add3A_158 = arith.addf %sub3A_156, %add3A_157 : vector<256x1024xf32>
    %argmin3A_159 = tpu.reduce_index %add3A_158 {axis = 1 : i32, kind = #tpu.reduction_kind<arg_min>} : vector<256x1024xf32> -> vector<256xi32>
    %reduce_min3A_160 = arith.constant dense<0x7F800000> : vector<256xf32>
    %reduce_min3A_161 = vector.multi_reduction <minimumf>, %add3A_158, %reduce_min3A_160 [1] : vector<256x1024xf32> to vector<256xf32>
    %reduce_sum3A_162 = vector.shape_cast %reduce_min3A_161 : vector<256xf32> to vector<1x256xf32>
    %reduce_sum3A_163 = arith.constant dense<0.000000e+00> : vector<1xf32>
    %reduce_sum3A_164 = vector.multi_reduction <add>, %reduce_sum3A_162, %reduce_sum3A_163 [1] : vector<1x256xf32> to vector<1xf32>
    %reduce_sum3A_165 = vector.shape_cast %reduce_sum3A_164 : vector<1xf32> to vector<1x1xf32>
    %reduce_sum3A_166 = vector.extract %reduce_sum3A_165[0, 0] : f32 from vector<1x1xf32>
    %add3A_167 = arith.addf %add3A_120, %reduce_sum3A_166 : f32
    %iota3A_168 = tpu.iota {dimensions = array<i32: 1>} : vector<256x1024xi32>
    %broadcast_in_dim3A_169 = vector.shape_cast %argmin3A_159 : vector<256xi32> to vector<256x1xi32>
    %eq3A_170 = vector.broadcast %broadcast_in_dim3A_169 : vector<256x1xi32> to vector<256x1024xi32>
    %eq3A_171 = arith.cmpi eq, %iota3A_168, %eq3A_170 : vector<256x1024xi32>
    %convert_element_type3A_172 = arith.extui %eq3A_171 : vector<256x1024xi1> to vector<256x1024xi32>
    %convert_element_type3A_173 = arith.sitofp %convert_element_type3A_172 : vector<256x1024xi32> to vector<256x1024xf32>
    %convert_element_type3A_174 = arith.truncf %convert_element_type3A_173 : vector<256x1024xf32> to vector<256x1024xbf16>
    %get3A_175 = arith.constant 2 : index
    %get3A_176 = arith.constant 0 : index
    %get3A_177 = arith.constant 0 : index
    %get3A_178 = vector.load %arg7[%get3A_175, %get3A_176, %get3A_177] : memref<6x256x1024xbf16, #tpu.memory_space<vmem>>, vector<1x256x1024xbf16>
    %get3A_179 = vector.shape_cast %get3A_178 : vector<1x256x1024xbf16> to vector<256x1024xbf16>
    %dot_general3A_180 = arith.constant dense<0.000000e+00> : vector<256x256xf32>
    %dot_general3A_181 = tpu.matmul %convert_element_type3A_174, %get3A_179, %dot_general3A_180 {dimension_numbers = #tpu.dot_dimension_numbers<[1], [1], [0], [0], [0, 0, 1, 0], [], []>, transpose_lhs_hint = false} : vector<256x1024xbf16>, vector<256x1024xbf16>, vector<256x256xf32> -> vector<256x256xf32>
    %convert_element_type3A_182 = arith.truncf %dot_general3A_181 : vector<256x256xf32> to vector<256x256xbf16>
    %slice3A_183 = vector.extract_strided_slice %reshape3A {offsets = [0, 768], sizes = [256, 256], strides = [1, 1]} : vector<256x1536xf32> to vector<256x256xf32>
    %get3A_184 = arith.constant 3 : index
    %get3A_185 = arith.constant 0 : index
    %get3A_186 = arith.constant 0 : index
    %get3A_187 = vector.load %arg4[%get3A_184, %get3A_185, %get3A_186] : memref<6x256x1024xf32, #tpu.memory_space<vmem>>, vector<1x256x1024xf32>
    %get3A_188 = vector.shape_cast %get3A_187 : vector<1x256x1024xf32> to vector<256x1024xf32>
    %mul3A_189 = arith.mulf %slice3A_183, %slice3A_183 : vector<256x256xf32>
    %reduce_sum3A_190 = arith.constant dense<0.000000e+00> : vector<256xf32>
    %reduce_sum3A_191 = vector.multi_reduction <add>, %mul3A_189, %reduce_sum3A_190 [1] : vector<256x256xf32> to vector<256xf32>
    %broadcast_in_dim3A_192 = vector.shape_cast %reduce_sum3A_191 : vector<256xf32> to vector<256x1xf32>
    %mul3A_193 = arith.mulf %get3A_188, %get3A_188 : vector<256x1024xf32>
    %reduce_sum3A_194 = arith.constant dense<0.000000e+00> : vector<1024xf32>
    %reduce_sum3A_195 = vector.multi_reduction <add>, %mul3A_193, %reduce_sum3A_194 [0] : vector<256x1024xf32> to vector<1024xf32>
    %broadcast_in_dim3A_196 = vector.shape_cast %reduce_sum3A_195 : vector<1024xf32> to vector<1x1024xf32>
    %dot_general3A_197 = arith.constant dense<0.000000e+00> : vector<256x1024xf32>
    %dot_general3A_198 = tpu.matmul %slice3A_183, %get3A_188, %dot_general3A_197 {dimension_numbers = #tpu.dot_dimension_numbers<[1], [0], [0], [1], [0, 0, 1, 1], [], []>, transpose_lhs_hint = false} : vector<256x256xf32>, vector<256x1024xf32>, vector<256x1024xf32> -> vector<256x1024xf32>
    %mul3A_199 = arith.constant 2.000000e+00 : f32
    %mul3A_200 = vector.broadcast %mul3A_199 : f32 to vector<256x1024xf32>
    %mul3A_201 = arith.mulf %mul3A_200, %dot_general3A_198 : vector<256x1024xf32>
    %sub3A_202 = vector.broadcast %broadcast_in_dim3A_192 : vector<256x1xf32> to vector<256x1024xf32>
    %sub3A_203 = arith.subf %sub3A_202, %mul3A_201 : vector<256x1024xf32>
    %add3A_204 = vector.broadcast %broadcast_in_dim3A_196 : vector<1x1024xf32> to vector<256x1024xf32>
    %add3A_205 = arith.addf %sub3A_203, %add3A_204 : vector<256x1024xf32>
    %argmin3A_206 = tpu.reduce_index %add3A_205 {axis = 1 : i32, kind = #tpu.reduction_kind<arg_min>} : vector<256x1024xf32> -> vector<256xi32>
    %reduce_min3A_207 = arith.constant dense<0x7F800000> : vector<256xf32>
    %reduce_min3A_208 = vector.multi_reduction <minimumf>, %add3A_205, %reduce_min3A_207 [1] : vector<256x1024xf32> to vector<256xf32>
    %reduce_sum3A_209 = vector.shape_cast %reduce_min3A_208 : vector<256xf32> to vector<1x256xf32>
    %reduce_sum3A_210 = arith.constant dense<0.000000e+00> : vector<1xf32>
    %reduce_sum3A_211 = vector.multi_reduction <add>, %reduce_sum3A_209, %reduce_sum3A_210 [1] : vector<1x256xf32> to vector<1xf32>
    %reduce_sum3A_212 = vector.shape_cast %reduce_sum3A_211 : vector<1xf32> to vector<1x1xf32>
    %reduce_sum3A_213 = vector.extract %reduce_sum3A_212[0, 0] : f32 from vector<1x1xf32>
    %add3A_214 = arith.addf %add3A_167, %reduce_sum3A_213 : f32
    %iota3A_215 = tpu.iota {dimensions = array<i32: 1>} : vector<256x1024xi32>
    %broadcast_in_dim3A_216 = vector.shape_cast %argmin3A_206 : vector<256xi32> to vector<256x1xi32>
    %eq3A_217 = vector.broadcast %broadcast_in_dim3A_216 : vector<256x1xi32> to vector<256x1024xi32>
    %eq3A_218 = arith.cmpi eq, %iota3A_215, %eq3A_217 : vector<256x1024xi32>
    %convert_element_type3A_219 = arith.extui %eq3A_218 : vector<256x1024xi1> to vector<256x1024xi32>
    %convert_element_type3A_220 = arith.sitofp %convert_element_type3A_219 : vector<256x1024xi32> to vector<256x1024xf32>
    %convert_element_type3A_221 = arith.truncf %convert_element_type3A_220 : vector<256x1024xf32> to vector<256x1024xbf16>
    %get3A_222 = arith.constant 3 : index
    %get3A_223 = arith.constant 0 : index
    %get3A_224 = arith.constant 0 : index
    %get3A_225 = vector.load %arg7[%get3A_222, %get3A_223, %get3A_224] : memref<6x256x1024xbf16, #tpu.memory_space<vmem>>, vector<1x256x1024xbf16>
    %get3A_226 = vector.shape_cast %get3A_225 : vector<1x256x1024xbf16> to vector<256x1024xbf16>
    %dot_general3A_227 = arith.constant dense<0.000000e+00> : vector<256x256xf32>
    %dot_general3A_228 = tpu.matmul %convert_element_type3A_221, %get3A_226, %dot_general3A_227 {dimension_numbers = #tpu.dot_dimension_numbers<[1], [1], [0], [0], [0, 0, 1, 0], [], []>, transpose_lhs_hint = false} : vector<256x1024xbf16>, vector<256x1024xbf16>, vector<256x256xf32> -> vector<256x256xf32>
    %convert_element_type3A_229 = arith.truncf %dot_general3A_228 : vector<256x256xf32> to vector<256x256xbf16>
    %slice3A_230 = vector.extract_strided_slice %reshape3A {offsets = [0, 1024], sizes = [256, 256], strides = [1, 1]} : vector<256x1536xf32> to vector<256x256xf32>
    %get3A_231 = arith.constant 4 : index
    %get3A_232 = arith.constant 0 : index
    %get3A_233 = arith.constant 0 : index
    %get3A_234 = vector.load %arg4[%get3A_231, %get3A_232, %get3A_233] : memref<6x256x1024xf32, #tpu.memory_space<vmem>>, vector<1x256x1024xf32>
    %get3A_235 = vector.shape_cast %get3A_234 : vector<1x256x1024xf32> to vector<256x1024xf32>
    %mul3A_236 = arith.mulf %slice3A_230, %slice3A_230 : vector<256x256xf32>
    %reduce_sum3A_237 = arith.constant dense<0.000000e+00> : vector<256xf32>
    %reduce_sum3A_238 = vector.multi_reduction <add>, %mul3A_236, %reduce_sum3A_237 [1] : vector<256x256xf32> to vector<256xf32>
    %broadcast_in_dim3A_239 = vector.shape_cast %reduce_sum3A_238 : vector<256xf32> to vector<256x1xf32>
    %mul3A_240 = arith.mulf %get3A_235, %get3A_235 : vector<256x1024xf32>
    %reduce_sum3A_241 = arith.constant dense<0.000000e+00> : vector<1024xf32>
    %reduce_sum3A_242 = vector.multi_reduction <add>, %mul3A_240, %reduce_sum3A_241 [0] : vector<256x1024xf32> to vector<1024xf32>
    %broadcast_in_dim3A_243 = vector.shape_cast %reduce_sum3A_242 : vector<1024xf32> to vector<1x1024xf32>
    %dot_general3A_244 = arith.constant dense<0.000000e+00> : vector<256x1024xf32>
    %dot_general3A_245 = tpu.matmul %slice3A_230, %get3A_235, %dot_general3A_244 {dimension_numbers = #tpu.dot_dimension_numbers<[1], [0], [0], [1], [0, 0, 1, 1], [], []>, transpose_lhs_hint = false} : vector<256x256xf32>, vector<256x1024xf32>, vector<256x1024xf32> -> vector<256x1024xf32>
    %mul3A_246 = arith.constant 2.000000e+00 : f32
    %mul3A_247 = vector.broadcast %mul3A_246 : f32 to vector<256x1024xf32>
    %mul3A_248 = arith.mulf %mul3A_247, %dot_general3A_245 : vector<256x1024xf32>
    %sub3A_249 = vector.broadcast %broadcast_in_dim3A_239 : vector<256x1xf32> to vector<256x1024xf32>
    %sub3A_250 = arith.subf %sub3A_249, %mul3A_248 : vector<256x1024xf32>
    %add3A_251 = vector.broadcast %broadcast_in_dim3A_243 : vector<1x1024xf32> to vector<256x1024xf32>
    %add3A_252 = arith.addf %sub3A_250, %add3A_251 : vector<256x1024xf32>
    %argmin3A_253 = tpu.reduce_index %add3A_252 {axis = 1 : i32, kind = #tpu.reduction_kind<arg_min>} : vector<256x1024xf32> -> vector<256xi32>
    %reduce_min3A_254 = arith.constant dense<0x7F800000> : vector<256xf32>
    %reduce_min3A_255 = vector.multi_reduction <minimumf>, %add3A_252, %reduce_min3A_254 [1] : vector<256x1024xf32> to vector<256xf32>
    %reduce_sum3A_256 = vector.shape_cast %reduce_min3A_255 : vector<256xf32> to vector<1x256xf32>
    %reduce_sum3A_257 = arith.constant dense<0.000000e+00> : vector<1xf32>
    %reduce_sum3A_258 = vector.multi_reduction <add>, %reduce_sum3A_256, %reduce_sum3A_257 [1] : vector<1x256xf32> to vector<1xf32>
    %reduce_sum3A_259 = vector.shape_cast %reduce_sum3A_258 : vector<1xf32> to vector<1x1xf32>
    %reduce_sum3A_260 = vector.extract %reduce_sum3A_259[0, 0] : f32 from vector<1x1xf32>
    %add3A_261 = arith.addf %add3A_214, %reduce_sum3A_260 : f32
    %iota3A_262 = tpu.iota {dimensions = array<i32: 1>} : vector<256x1024xi32>
    %broadcast_in_dim3A_263 = vector.shape_cast %argmin3A_253 : vector<256xi32> to vector<256x1xi32>
    %eq3A_264 = vector.broadcast %broadcast_in_dim3A_263 : vector<256x1xi32> to vector<256x1024xi32>
    %eq3A_265 = arith.cmpi eq, %iota3A_262, %eq3A_264 : vector<256x1024xi32>
    %convert_element_type3A_266 = arith.extui %eq3A_265 : vector<256x1024xi1> to vector<256x1024xi32>
    %convert_element_type3A_267 = arith.sitofp %convert_element_type3A_266 : vector<256x1024xi32> to vector<256x1024xf32>
    %convert_element_type3A_268 = arith.truncf %convert_element_type3A_267 : vector<256x1024xf32> to vector<256x1024xbf16>
    %get3A_269 = arith.constant 4 : index
    %get3A_270 = arith.constant 0 : index
    %get3A_271 = arith.constant 0 : index
    %get3A_272 = vector.load %arg7[%get3A_269, %get3A_270, %get3A_271] : memref<6x256x1024xbf16, #tpu.memory_space<vmem>>, vector<1x256x1024xbf16>
    %get3A_273 = vector.shape_cast %get3A_272 : vector<1x256x1024xbf16> to vector<256x1024xbf16>
    %dot_general3A_274 = arith.constant dense<0.000000e+00> : vector<256x256xf32>
    %dot_general3A_275 = tpu.matmul %convert_element_type3A_268, %get3A_273, %dot_general3A_274 {dimension_numbers = #tpu.dot_dimension_numbers<[1], [1], [0], [0], [0, 0, 1, 0], [], []>, transpose_lhs_hint = false} : vector<256x1024xbf16>, vector<256x1024xbf16>, vector<256x256xf32> -> vector<256x256xf32>
    %convert_element_type3A_276 = arith.truncf %dot_general3A_275 : vector<256x256xf32> to vector<256x256xbf16>
    %slice3A_277 = vector.extract_strided_slice %reshape3A {offsets = [0, 1280], sizes = [256, 256], strides = [1, 1]} : vector<256x1536xf32> to vector<256x256xf32>
    %get3A_278 = arith.constant 5 : index
    %get3A_279 = arith.constant 0 : index
    %get3A_280 = arith.constant 0 : index
    %get3A_281 = vector.load %arg4[%get3A_278, %get3A_279, %get3A_280] : memref<6x256x1024xf32, #tpu.memory_space<vmem>>, vector<1x256x1024xf32>
    %get3A_282 = vector.shape_cast %get3A_281 : vector<1x256x1024xf32> to vector<256x1024xf32>
    %mul3A_283 = arith.mulf %slice3A_277, %slice3A_277 : vector<256x256xf32>
    %reduce_sum3A_284 = arith.constant dense<0.000000e+00> : vector<256xf32>
    %reduce_sum3A_285 = vector.multi_reduction <add>, %mul3A_283, %reduce_sum3A_284 [1] : vector<256x256xf32> to vector<256xf32>
    %broadcast_in_dim3A_286 = vector.shape_cast %reduce_sum3A_285 : vector<256xf32> to vector<256x1xf32>
    %mul3A_287 = arith.mulf %get3A_282, %get3A_282 : vector<256x1024xf32>
    %reduce_sum3A_288 = arith.constant dense<0.000000e+00> : vector<1024xf32>
    %reduce_sum3A_289 = vector.multi_reduction <add>, %mul3A_287, %reduce_sum3A_288 [0] : vector<256x1024xf32> to vector<1024xf32>
    %broadcast_in_dim3A_290 = vector.shape_cast %reduce_sum3A_289 : vector<1024xf32> to vector<1x1024xf32>
    %dot_general3A_291 = arith.constant dense<0.000000e+00> : vector<256x1024xf32>
    %dot_general3A_292 = tpu.matmul %slice3A_277, %get3A_282, %dot_general3A_291 {dimension_numbers = #tpu.dot_dimension_numbers<[1], [0], [0], [1], [0, 0, 1, 1], [], []>, transpose_lhs_hint = false} : vector<256x256xf32>, vector<256x1024xf32>, vector<256x1024xf32> -> vector<256x1024xf32>
    %mul3A_293 = arith.constant 2.000000e+00 : f32
    %mul3A_294 = vector.broadcast %mul3A_293 : f32 to vector<256x1024xf32>
    %mul3A_295 = arith.mulf %mul3A_294, %dot_general3A_292 : vector<256x1024xf32>
    %sub3A_296 = vector.broadcast %broadcast_in_dim3A_286 : vector<256x1xf32> to vector<256x1024xf32>
    %sub3A_297 = arith.subf %sub3A_296, %mul3A_295 : vector<256x1024xf32>
    %add3A_298 = vector.broadcast %broadcast_in_dim3A_290 : vector<1x1024xf32> to vector<256x1024xf32>
    %add3A_299 = arith.addf %sub3A_297, %add3A_298 : vector<256x1024xf32>
    %argmin3A_300 = tpu.reduce_index %add3A_299 {axis = 1 : i32, kind = #tpu.reduction_kind<arg_min>} : vector<256x1024xf32> -> vector<256xi32>
    %reduce_min3A_301 = arith.constant dense<0x7F800000> : vector<256xf32>
    %reduce_min3A_302 = vector.multi_reduction <minimumf>, %add3A_299, %reduce_min3A_301 [1] : vector<256x1024xf32> to vector<256xf32>
    %reduce_sum3A_303 = vector.shape_cast %reduce_min3A_302 : vector<256xf32> to vector<1x256xf32>
    %reduce_sum3A_304 = arith.constant dense<0.000000e+00> : vector<1xf32>
    %reduce_sum3A_305 = vector.multi_reduction <add>, %reduce_sum3A_303, %reduce_sum3A_304 [1] : vector<1x256xf32> to vector<1xf32>
    %reduce_sum3A_306 = vector.shape_cast %reduce_sum3A_305 : vector<1xf32> to vector<1x1xf32>
    %reduce_sum3A_307 = vector.extract %reduce_sum3A_306[0, 0] : f32 from vector<1x1xf32>
    %add3A_308 = arith.addf %add3A_261, %reduce_sum3A_307 : f32
    %iota3A_309 = tpu.iota {dimensions = array<i32: 1>} : vector<256x1024xi32>
    %broadcast_in_dim3A_310 = vector.shape_cast %argmin3A_300 : vector<256xi32> to vector<256x1xi32>
    %eq3A_311 = vector.broadcast %broadcast_in_dim3A_310 : vector<256x1xi32> to vector<256x1024xi32>
    %eq3A_312 = arith.cmpi eq, %iota3A_309, %eq3A_311 : vector<256x1024xi32>
    %convert_element_type3A_313 = arith.extui %eq3A_312 : vector<256x1024xi1> to vector<256x1024xi32>
    %convert_element_type3A_314 = arith.sitofp %convert_element_type3A_313 : vector<256x1024xi32> to vector<256x1024xf32>
    %convert_element_type3A_315 = arith.truncf %convert_element_type3A_314 : vector<256x1024xf32> to vector<256x1024xbf16>
    %get3A_316 = arith.constant 5 : index
    %get3A_317 = arith.constant 0 : index
    %get3A_318 = arith.constant 0 : index
    %get3A_319 = vector.load %arg7[%get3A_316, %get3A_317, %get3A_318] : memref<6x256x1024xbf16, #tpu.memory_space<vmem>>, vector<1x256x1024xbf16>
    %get3A_320 = vector.shape_cast %get3A_319 : vector<1x256x1024xbf16> to vector<256x1024xbf16>
    %dot_general3A_321 = arith.constant dense<0.000000e+00> : vector<256x256xf32>
    %dot_general3A_322 = tpu.matmul %convert_element_type3A_315, %get3A_320, %dot_general3A_321 {dimension_numbers = #tpu.dot_dimension_numbers<[1], [1], [0], [0], [0, 0, 1, 0], [], []>, transpose_lhs_hint = false} : vector<256x1024xbf16>, vector<256x1024xbf16>, vector<256x256xf32> -> vector<256x256xf32>
    %convert_element_type3A_323 = arith.truncf %dot_general3A_322 : vector<256x256xf32> to vector<256x256xbf16>
    %concatenate3A = tpu.concatenate %convert_element_type3A_88, %convert_element_type3A_135, %convert_element_type3A_182, %convert_element_type3A_229, %convert_element_type3A_276, %convert_element_type3A_323 in 1 : vector<256x256xbf16>, vector<256x256xbf16>, vector<256x256xbf16>, vector<256x256xbf16>, vector<256x256xbf16>, vector<256x256xbf16> -> vector<256x1536xbf16>
    %reshape3A_324 = vector.shape_cast %concatenate3A : vector<256x1536xbf16> to vector<1024x384xbf16>
    %get3A_325 = arith.constant 0 : index
    %get3A_326 = arith.constant 0 : index
    %get3A_327 = arith.constant 0 : index
    %get3A_328 = vector.load %arg8[%get3A_325, %get3A_326, %get3A_327] : memref<4x384x192xbf16, #tpu.memory_space<vmem>>, vector<1x384x192xbf16>
    %get3A_329 = vector.shape_cast %get3A_328 : vector<1x384x192xbf16> to vector<384x192xbf16>
    %dot_general3A_330 = arith.constant dense<0.000000e+00> : vector<1024x192xf32>
    %dot_general3A_331 = tpu.matmul %reshape3A_324, %get3A_329, %dot_general3A_330 {dimension_numbers = #tpu.dot_dimension_numbers<[1], [0], [0], [1], [0, 0, 1, 1], [], []>, transpose_lhs_hint = false} : vector<1024x384xbf16>, vector<384x192xbf16>, vector<1024x192xf32> -> vector<1024x192xf32>
    %swap3A = arith.constant 0 : index
    %swap3A_332 = arith.constant 0 : index
    %swap3A_333 = arith.constant 0 : index
    %swap3A_334 = arith.constant 0 : index
    %swap3A_335 = vector.load %arg5[%swap3A, %swap3A_332, %swap3A_333, %swap3A_334] : memref<1x4x1024x192xf32, #tpu.memory_space<vmem>>, vector<1x1x1024x192xf32>
    %swap3A_336 = vector.shape_cast %swap3A_335 : vector<1x1x1024x192xf32> to vector<1024x192xf32>
    %swap3A_337 = vector.shape_cast %dot_general3A_331 : vector<1024x192xf32> to vector<1x1x1024x192xf32>
    tpu.vector_store %arg5[%swap3A, %swap3A_332, %swap3A_333, %swap3A_334], %swap3A_337 {strides = array<i32>} : memref<1x4x1024x192xf32, #tpu.memory_space<vmem>>, vector<1x1x1024x192xf32>,
    %get3A_338 = arith.constant 1 : index
    %get3A_339 = arith.constant 0 : index
    %get3A_340 = arith.constant 0 : index
    %get3A_341 = vector.load %arg8[%get3A_338, %get3A_339, %get3A_340] : memref<4x384x192xbf16, #tpu.memory_space<vmem>>, vector<1x384x192xbf16>
    %get3A_342 = vector.shape_cast %get3A_341 : vector<1x384x192xbf16> to vector<384x192xbf16>
    %dot_general3A_343 = arith.constant dense<0.000000e+00> : vector<1024x192xf32>
    %dot_general3A_344 = tpu.matmul %reshape3A_324, %get3A_342, %dot_general3A_343 {dimension_numbers = #tpu.dot_dimension_numbers<[1], [0], [0], [1], [0, 0, 1, 1], [], []>, transpose_lhs_hint = false} : vector<1024x384xbf16>, vector<384x192xbf16>, vector<1024x192xf32> -> vector<1024x192xf32>
    %swap3A_345 = arith.constant 0 : index
    %swap3A_346 = arith.constant 1 : index
    %swap3A_347 = arith.constant 0 : index
    %swap3A_348 = arith.constant 0 : index
    %swap3A_349 = vector.load %arg5[%swap3A_345, %swap3A_346, %swap3A_347, %swap3A_348] : memref<1x4x1024x192xf32, #tpu.memory_space<vmem>>, vector<1x1x1024x192xf32>
    %swap3A_350 = vector.shape_cast %swap3A_349 : vector<1x1x1024x192xf32> to vector<1024x192xf32>
    %swap3A_351 = vector.shape_cast %dot_general3A_344 : vector<1024x192xf32> to vector<1x1x1024x192xf32>
    tpu.vector_store %arg5[%swap3A_345, %swap3A_346, %swap3A_347, %swap3A_348], %swap3A_351 {strides = array<i32>} : memref<1x4x1024x192xf32, #tpu.memory_space<vmem>>, vector<1x1x1024x192xf32>,
    %get3A_352 = arith.constant 2 : index
    %get3A_353 = arith.constant 0 : index
    %get3A_354 = arith.constant 0 : index
    %get3A_355 = vector.load %arg8[%get3A_352, %get3A_353, %get3A_354] : memref<4x384x192xbf16, #tpu.memory_space<vmem>>, vector<1x384x192xbf16>
    %get3A_356 = vector.shape_cast %get3A_355 : vector<1x384x192xbf16> to vector<384x192xbf16>
    %dot_general3A_357 = arith.constant dense<0.000000e+00> : vector<1024x192xf32>
    %dot_general3A_358 = tpu.matmul %reshape3A_324, %get3A_356, %dot_general3A_357 {dimension_numbers = #tpu.dot_dimension_numbers<[1], [0], [0], [1], [0, 0, 1, 1], [], []>, transpose_lhs_hint = false} : vector<1024x384xbf16>, vector<384x192xbf16>, vector<1024x192xf32> -> vector<1024x192xf32>
    %swap3A_359 = arith.constant 0 : index
    %swap3A_360 = arith.constant 2 : index
    %swap3A_361 = arith.constant 0 : index
    %swap3A_362 = arith.constant 0 : index
    %swap3A_363 = vector.load %arg5[%swap3A_359, %swap3A_360, %swap3A_361, %swap3A_362] : memref<1x4x1024x192xf32, #tpu.memory_space<vmem>>, vector<1x1x1024x192xf32>
    %swap3A_364 = vector.shape_cast %swap3A_363 : vector<1x1x1024x192xf32> to vector<1024x192xf32>
    %swap3A_365 = vector.shape_cast %dot_general3A_358 : vector<1024x192xf32> to vector<1x1x1024x192xf32>
    tpu.vector_store %arg5[%swap3A_359, %swap3A_360, %swap3A_361, %swap3A_362], %swap3A_365 {strides = array<i32>} : memref<1x4x1024x192xf32, #tpu.memory_space<vmem>>, vector<1x1x1024x192xf32>,
    %get3A_366 = arith.constant 3 : index
    %get3A_367 = arith.constant 0 : index
    %get3A_368 = arith.constant 0 : index
    %get3A_369 = vector.load %arg8[%get3A_366, %get3A_367, %get3A_368] : memref<4x384x192xbf16, #tpu.memory_space<vmem>>, vector<1x384x192xbf16>
    %get3A_370 = vector.shape_cast %get3A_369 : vector<1x384x192xbf16> to vector<384x192xbf16>
    %dot_general3A_371 = arith.constant dense<0.000000e+00> : vector<1024x192xf32>
    %dot_general3A_372 = tpu.matmul %reshape3A_324, %get3A_370, %dot_general3A_371 {dimension_numbers = #tpu.dot_dimension_numbers<[1], [0], [0], [1], [0, 0, 1, 1], [], []>, transpose_lhs_hint = false} : vector<1024x384xbf16>, vector<384x192xbf16>, vector<1024x192xf32> -> vector<1024x192xf32>
    %swap3A_373 = arith.constant 0 : index
    %swap3A_374 = arith.constant 3 : index
    %swap3A_375 = arith.constant 0 : index
    %swap3A_376 = arith.constant 0 : index
    %swap3A_377 = vector.load %arg5[%swap3A_373, %swap3A_374, %swap3A_375, %swap3A_376] : memref<1x4x1024x192xf32, #tpu.memory_space<vmem>>, vector<1x1x1024x192xf32>
    %swap3A_378 = vector.shape_cast %swap3A_377 : vector<1x1x1024x192xf32> to vector<1024x192xf32>
    %swap3A_379 = vector.shape_cast %dot_general3A_372 : vector<1024x192xf32> to vector<1x1x1024x192xf32>
    tpu.vector_store %arg5[%swap3A_373, %swap3A_374, %swap3A_375, %swap3A_376], %swap3A_379 {strides = array<i32>} : memref<1x4x1024x192xf32, #tpu.memory_space<vmem>>, vector<1x1x1024x192xf32>,
    %eq3A_380 = arith.constant 0 : i32
    %eq3A_381 = arith.cmpi eq, %arg0, %eq3A_380 : i32
    %convert_element_type3A_382 = arith.extui %eq3A_381 : i1 to i32
    %cond3A_383 = arith.constant 0 : i32
    %cond3A_384 = arith.cmpi ne, %convert_element_type3A_382, %cond3A_383 : i32
    scf.if %cond3A_384 {
      %broadcast_in_dim3A_389 = vector.broadcast %add3A_308 : f32 to vector<8x128xf32>
      %swap3A_390 = arith.constant 0 : index
      %swap3A_391 = arith.constant 0 : index
      %swap3A_392 = vector.load %arg6[%swap3A_390, %swap3A_391] : memref<8x128xf32, #tpu.memory_space<vmem>>, vector<8x128xf32>
      tpu.vector_store %arg6[%swap3A_390, %swap3A_391], %broadcast_in_dim3A_389 {strides = array<i32>} : memref<8x128xf32, #tpu.memory_space<vmem>>, vector<8x128xf32>,
    } else {
    }
    %ne3A = arith.constant 0 : i32
    %ne3A_385 = arith.cmpi ne, %arg0, %ne3A : i32
    %convert_element_type3A_386 = arith.extui %ne3A_385 : i1 to i32
    %cond3A_387 = arith.constant 0 : i32
    %cond3A_388 = arith.cmpi ne, %convert_element_type3A_386, %cond3A_387 : i32
    scf.if %cond3A_388 {
      %get3A_389 = arith.constant 0 : index
      %get3A_390 = arith.constant 0 : index
      %get3A_391 = vector.load %arg6[%get3A_389, %get3A_390] : memref<8x128xf32, #tpu.memory_space<vmem>>, vector<8x128xf32>
      %broadcast_in_dim3A_392 = vector.broadcast %add3A_308 : f32 to vector<8x128xf32>
      %add3A_393 = arith.addf %get3A_391, %broadcast_in_dim3A_392 : vector<8x128xf32>
      %swap3A_394 = arith.constant 0 : index
      %swap3A_395 = arith.constant 0 : index
      %swap3A_396 = vector.load %arg6[%swap3A_394, %swap3A_395] : memref<8x128xf32, #tpu.memory_space<vmem>>, vector<8x128xf32>
      tpu.vector_store %arg6[%swap3A_394, %swap3A_395], %add3A_393 {strides = array<i32>} : memref<8x128xf32, #tpu.memory_space<vmem>>, vector<8x128xf32>,
    } else {
    }
    return
  }
  func.func @transform_0(%arg0: i32) -> (i32, i32, i32, i32) {
    %c0_i32 = arith.constant 0 : i32
    %c0_i32_0 = arith.constant 0 : i32
    %c0_i32_1 = arith.constant 0 : i32
    %c0_i32_2 = arith.constant 0 : i32
    return %arg0, %c0_i32, %c0_i32_0, %c0_i32_1 : i32, i32, i32, i32
  }
  func.func @transform_1(%arg0: i32) -> (i32, i32) {
    %c0_i32 = arith.constant 0 : i32
    %c0_i32_0 = arith.constant 0 : i32
    %c0_i32_1 = arith.constant 0 : i32
    return %c0_i32, %c0_i32_0 : i32, i32
  }
  func.func @transform_2(%arg0: i32) -> (i32, i32) {
    %c0_i32 = arith.constant 0 : i32
    %c0_i32_0 = arith.constant 0 : i32
    %c0_i32_1 = arith.constant 0 : i32
    return %c0_i32, %c0_i32_0 : i32, i32
  }
  func.func @transform_3(%arg0: i32) -> (i32, i32, i32) {
    %c0_i32 = arith.constant 0 : i32
    %c0_i32_0 = arith.constant 0 : i32
    %c0_i32_1 = arith.constant 0 : i32
    %c0_i32_2 = arith.constant 0 : i32
    return %c0_i32, %c0_i32_0, %c0_i32_1 : i32, i32, i32
  }
  func.func @transform_4(%arg0: i32) -> (i32, i32, i32, i32) {
    %c0_i32 = arith.constant 0 : i32
    %c0_i32_0 = arith.constant 0 : i32
    %c0_i32_1 = arith.constant 0 : i32
    %c0_i32_2 = arith.constant 0 : i32
    return %arg0, %c0_i32, %c0_i32_0, %c0_i32_1 : i32, i32, i32, i32
  }
  func.func @transform_5(%arg0: i32) -> (i32, i32) {
    %c0_i32 = arith.constant 0 : i32
    %c0_i32_0 = arith.constant 0 : i32
    %c0_i32_1 = arith.constant 0 : i32
    return %c0_i32, %c0_i32_0 : i32, i32
  }
}

</mosaic_0001>

<sc_bundles>
// kernel: sparse-core-data-format-call.cloned.1.call-start
scs
called_computation_lowered:
.L_overlay_start_0:
0x0: {  	s2 =	sld [smem:$0x3FD9]  }
0x1: {  	s3 =	sld [smem:$0x3FFE];
	_ =	sdelay $0x1  }
0x2: {  	s1 =	srdreg.scid  }
0x3: {  	s0 =	sand.u32 $0x1, s1  }
0x4: {  	s15 =	sshll.u32 s0, $0xA;
	s2 =	sadd.s32 s3, s2  }
0x5: {  	s2 =	sadd.s32 s2, s15  }
0x6: {  	[smem:$0x3FC4] =	sst s2  }
0x7: {  	_ = 	snop  }
0x8: {  	s2 =	sld [smem:$0x3FD0];
	_ =	sdelay $0x2  }
0x9: {  	s16 =	simm.s32 $0xA;
	s4 =	simm.s32 $0x10  }
0xa: {  	[smem:s4], [sflag:s16] =	dma.local [hbm:s2], $0x1  }
0xb: {  	_ =	swait.eq [sflag:s16], $0x1  }
0xc: {  	[sflag:s16] =	ssyncset.done $0x0  }
0xd: {  	[sflag:s16] =	ssyncadd.s32 $0xFFFFFFFF  }
0xe: {  	s17 =	sld [smem:$0x10];
	(tm) =	ssettm $0x1  }
0xf: {  	s18 =	sld [smem:$0x3FFB];
	_ =	sdelay $0x3  }
0x10: {  	_ =	strace s18  }
0x11: {  	s3 =	sld [smem:$0x3FFC];
	_ =	sdelay $0x3  }
0x12: {  	_ =	strace s3  }
0x13: {  	s3 =	sld [smem:$0x3FFD];
	_ =	sdelay $0x3  }
0x14: {  	_ =	strace s3  }
0x15: {  	_ =	strace $0x8FFFFFFF  }
0x16: {  	s19 =	sld [smem:$0x3FDB];
	_ =	sdelay $0x1  }
0x17: {  	s20 =	simm.s32 $_scs_section_size  }
0x18: {  	s5 =	simm.s32 $_size__tile_overlayer_lowered;
	s6 =	simm.s32 $_tile_overlayer_lowered  }
0x19: {  	s23 =	simm.s32 $0x1BFF;
	s22 =	sshll.u32 s6, $0x1;
	s3 =	sadd.s32 s20, s19  }
0x1a: {  	s7 =	simm.s32 $0x0;
	s21 =	sshll.u32 s5, $0x1;
	s5 =	sadd.s32 s22, s3  }
0x1b: {  	[timem:s7], [sflag:s23] =	dma.local [hbm:s5], s21  }
0x1c: {  	_ =	swait.ge [sflag:s23], s21  }
0x1d: {  	s4 =	ssub.s32 $0x0, s21;
	[sflag:s23] =	ssyncset.done $0x0  }
0x1e: {  	[sflag:s23] =	ssyncadd.s32 s4;
	_ =	sdelay $0x1  }
0x1f: {  	s24 =	simm.s32 $0x1B8B  }
0x20: {  	_ =	swait.ge [sflag:s24], $0x1  }
0x21: {  	[sflag:s24] =	ssyncset.done $0x0  }
0x22: {  	s26 =	simm.s32 $0x1B8E;
	s25 =	sld [smem:$0x3FFE];
	[sflag:s24] =	ssyncadd.s32 $0xFFFFFFFF  }
0x23: {  	s27 =	simm.s32 $execute0_lowered;
	[smem:$0x3FD2] =	sst s26  }
0x24: {  	s5 =	sshll.u32 s27, $0x1;
	_ =	strace $0x80000046;
	[dreg:$0x1] =	wrdreg $0xFFFFFFFF  }
0x25: {  	s28 =	simm.s32 $_size_execute0_lowered;
	s3 =	sadd.s32 s3, s5;
	[dreg:$0x0] =	wrdreg $0x0  }
0x26: {  	s5 =	sshll.u32 s28, $0x1;
	[dreg:$0x2] =	wrdreg s3  }
0x27: {  	[dreg:$0x3] =	wrdreg s5  }
0x28: {  	[dreg:$0x4] =	wrdreg $0xC0  }
0x29: {  	_ =	task [dreg:s7], $0x5FFFF  }
0x2a: {  	[dreg:$0x1] =	wrdreg $0xFFFFFFFF  }
0x2b: {  	[dreg:$0x0] =	wrdreg $0x60  }
0x2c: {  	[dreg:$0x2] =	wrdreg s25  }
0x2d: {  	[dreg:$0x3] =	wrdreg s17  }
0x2e: {  	[dreg:$0x4] =	wrdreg $0x9  }
0x2f: {  	_ =	task.clear_ibuf [dreg:s7], $0x5FFFF;
	_ =	strace $0x90000046  }
0x30: {  	s29 =	simm.s32 $0x9;
	_ =	strace $0x80000048  }
0x31: {  	_ =	swait.ge [sflag:s29], $0x1  }
0x32: {  	[sflag:s29] =	ssyncadd.s32 $0xFFFFFFFF  }
0x33: {  	_ =	strace $0x90000048  }
0x34: {  	_ =	sfence  }
0x35: {  	s30 =	sld [smem:$0x0];
	_ =	sdelay $0x2  }
0x36: {  	s31 =	sshll.u32 s1, $0xD;
	s1 =	sshrl.u32 s1, $0x2  }
0x37: {  	s3 =	sand.u32 $0x4000, s31;
	s1 =	sadd.s32 s1, s30  }
0x38: {  	s0 =	sor.u32 s3, s0;
	s1 =	sshll.u32 s1, $0x11  }
0x39: {  	s0 =	sor.u32 s1, s0  }
0x3a: {  	s0 =	sadd.s32 $0x8F2B, s0  }
0x3b: {  	[sflag:s0] =	ssyncadd.remote.s32 $0x1  }
0x3c: {  	_ =	sfence.sel $0xFFFF  }
0x3d: {  	[dreg:$0x0] =	wrdreg $0xFFFFFFFF;
	(pc) =	sbr.abs _section_cstart, $3  }
0x3e: {  	[dreg:$0x1] =	wrdreg $0xFFFFFFFF  }
0x3f: {  	_ =	task.clear_ibuf [dreg:s7], $0x2FFFF;
	_ =	strace $0x9FFFFFFF  }
0x40: {  	(tm) =	ssettm $0x7FFFFFFF  }
0x41: {  	_ =	shalt  }
tec
execute0_lowered:
.L_overlay_start_1:
0x0: {  	(tag) =	ssettag $0x1  }
0x1: {  	s1 =	rddreg [dreg:$0x0]  }
0x2: {  	s2 =	rddreg [dreg:$0x1]  }
0x3: {  	s0 =	rddreg [dreg:$0x2]  }
0x4: {  	s4 =	srdreg.scid;
	_ =	strace $0x80000047;
	s6 =	simm.s32 $0x2  }
0x5: {  	s14 =	simm.s32 $0x0;
	p0 =	por $0x0, $0x0;
	s15 =	simm.s32 $0x0  }
0x6: {  	s16 =	simm.s32 $0x0;
	s7 =	simm.s32 $0x0;
	s9 =	simm.s32 $0x0  }
.Ltmp0:
0x7: {  	s10 =	simm.s32 $0x0;
	s11 =	simm.s32 $0x0;
	(pc) =	sbr.rel .LBB1_1-.Ltmp0, $4  }
0x8: {  	s12 =	simm.s32 $0x0;
	s3 =	sadd.s32 $0x400C00, s1;
	s4 =	sshll.u32 s4, $0x4  }
0x9: {  	s1 =	stileid.u32;
	s5 =	sand.u32 $0x10, s4;
	s4 =	simm.s32 $0x1  }
0xa: {  	s8 =	simm.s32 $0x0;
	s5 =	sor.u32 s1, s5;
	[sflag:s4] =	ssyncpa.u1 $0x0  }
0xb: {  	[sflag:s6] =	ssyncpa.u1 $0x0;
	s6 =	simm.s32 $0x8000;
	s13 =	smov.u32 s5  }
.LBB1_5:
0xc: {  	p1 =	slt.u32 s8, $0x2  }
0xd: {  	p2 =	sgt.s32 @!p1 s16, $0x1F  }
0xe: {  	s17 =	smov.u32 s16;
	s18 =	sshra.s32 @!p1 s16, $0x1F;
	p2 =	por !p2, p1  }
0xf: {  	s16 =	sand.u32 @!p1 s18, s16;
	s17 =	simm.s32 @p2 $0x1F  }
0x10: {  	p3 =	sgt.s32 @!p1 s15, $0xF80;
	s16 =	ssub.s32 @!p1 s17, s16  }
0x11: {  	p3 =	por !p3, p1;
	s18 =	sshra.s32 @!p1 s15, $0x1F;
	s17 =	sadd.s32 @!p1 $0xFFFFFFE1, s16  }
0x12: {  	s16 =	ssub.s32 @!p1 $0x20, s16;
	p2 =	sgt.s32 @!p1 s17, $0x0;
	s17 =	smov.u32 s15  }
0x13: {  	s15 =	sand.u32 @!p1 s18, s15;
	s17 =	simm.s32 @p3 $0xF80;
	p3 =	sgt.s32 @!p1 s14, $0x40  }
0x14: {  	s18 =	smov.u32 s14;
	p2 =	por !p2, p1;
	p3 =	por !p3, p1  }
0x15: {  	s15 =	ssub.s32 @!p1 s17, s15;
	s17 =	sshra.s32 @!p1 s14, $0x1F;
	s16 =	simm.s32 @!p2 $0x0  }
0x16: {  	s18 =	simm.s32 @p3 $0x40;
	s14 =	sand.u32 @!p1 s17, s14;
	s17 =	sadd.s32 @!p1 $0xFFFFF080, s15  }
0x17: {  	s15 =	ssub.s32 @!p1 $0x1000, s15;
	s14 =	ssub.s32 @!p1 s18, s14;
	p2 =	sgt.s32 @!p1 s17, $0x7F  }
0x18: {  	s18 =	smov.u32 s12;
	s17 =	sadd.s32 @!p1 $0xFFFFFFC0, s14;
	p2 =	por !p2, p1  }
0x19: {  	s14 =	ssub.s32 @!p1 $0xC0, s14;
	p3 =	sgt.s32 @!p1 s17, $0x7F;
	s15 =	simm.s32 @!p2 $0x0  }
0x1a: {  	s17 =	sadd.s32 $0x80, s11;
	p2 =	por !p3, p1;
	s15 =	smul.u32 @!p1 s16, s15  }
0x1b: {  	s16 =	sadd.s32 $0x80, s12;
	s14 =	simm.s32 @!p2 $0x0;
	p2 =	sgt.s32 s17, $0xBF  }
0x1c: {  	s19 =	smov.u32 s13;
	s18 =	smov.u32 @p2 s16  }
0x1d: {  	s14 =	smul.u32 @!p1 s14, s15;
	s15 =	sadd.s32 $0x20, s13;
	p3 =	sgt.s32 s18, $0xFFF  }
0x1e: {  	s8 =	sadd.s32 $0x1, s8;
	p0 =	por !p0, !p0;
	s19 =	smov.u32 @p3 s15  }
0x1f: {  	s20 =	simm.s32 @!p1 $0x2;
	s17 =	simm.s32 @p2 $0x0;
	p2 =	sgt.s32 s19, $0x1F  }
0x20: {  	s16 =	smov.u32 s10;
	s19 =	smov.u32 @p2 s5;
	p2 =	sne.s32 s8, $0x42  }
.Ltmp1:
0x21: {  	s10 =	smov.u32 s13;
	s14 =	sand.u32 @!p1 $0x3FFFFFFF, s14;
	(pc) =	sbr.rel @!p2 .LBB1_6-.Ltmp1, $4  }
0x22: {  	s18 =	simm.s32 @p3 $0x0;
	s15 =	smov.u32 s9;
	s9 =	smov.u32 s12  }
0x23: {  	_ =	swait.ge @!p1 [sflag:s20], s14;
	s21 =	ssub.s32 @!p1 $0x0, s14;
	s14 =	smov.u32 s7  }
0x24: {  	s7 =	smov.u32 s11;
	s11 =	smov.u32 s17;
	[sflag:s20] =	ssyncset.done @!p1 $0x0  }
0x25: {  	s12 =	smov.u32 s18;
	[sflag:s20] =	ssyncadd.s32 @!p1 s21;
	s13 =	smov.u32 s19  }
.LBB1_1:
0x26: {  	p1 =	sgt.u32 s8, $0x3F  }
0x27: {  	s17 =	sxor.u32 @!p1 $0xFFFFFFFF, s8  }
0x28: {  	s18 =	sshll.u32 @!p1 s12, $0x8;
	s19 =	sshll.u32 @!p1 s11, $0x3;
	s20 =	sshll.u32 @!p1 s12, $0x7  }
0x29: {  	s21 =	sand.u32 @!p1 $0x78, s11;
	s18 =	sand.u32 @!p1 $0xFF800, s18;
	s19 =	sand.u32 @!p1 $0xFFC00, s19  }
0x2a: {  	s17 =	sshll.u32 @!p1 s17, $0xE;
	s18 =	sadd.s32 @!p1 s18, s19;
	s19 =	sand.u32 @!p1 $0x300, s20  }
0x2b: {  	s17 =	sand.u32 @!p1 $0x4000, s17;
	s18 =	sor.u32 @!p1 s19, s18;
	s19 =	sand.u32 @!p1 $0x80, s20  }
0x2c: {  	s20 =	sshll.u32 @!p1 s13, $0x11;
	s19 =	sor.u32 @!p1 s21, s19;
	s18 =	sshrl.u32 @!p1 s18, $0x3  }
0x2d: {  	s20 =	sadd.s32 @!p1 s3, s20;
	s21 =	sand.u32 @!p1 $0x7, s11;
	s19 =	sshrl.u32 @!p1 s19, $0x3  }
0x2e: {  	s18 =	sand.u32 @!p1 $0x1FFE0, s18;
	s19 =	sadd.s32 @!p1 s19, s20;
	s20 =	sshll.u32 @!p1 s21, $0x12  }
0x2f: {  	s18 =	sadd.s32 @!p1 s18, s19;
	s19 =	sor.u32 @!p1 $0x400, s20;
	s20 =	simm.s32 @!p1 $0x800  }
0x30: {  	[tilespmem:s17], [sflag:$0x1] =	stream.strided.gather @!p1 [hbm4b:s18+s19], $0x4000, s20, s19, $0x38;
	[tilespmem:$0x10100] =	vst v63  }
0x31: {  	p1 =	seq.s32 s8, $0x0  }
0x32: {  	p2 =	seq.s32 @!p1 s8, $0x41  }
0x33: {  	p1 =	por p1, p2  }
.Ltmp2:
0x34: {  	_ = 	snop;
	(pc) =	sbr.rel @p1 .LBB1_5-.Ltmp2, $1  }
0x35: {  	_ =	sdelay $0x3  }
0x36: {  	s17 =	simm.s32 $0x1  }
0x37: {  	_ =	swait.ge [sflag:s4], $0x4000;
	s17 =	simm.s32 @!p0 $0x0  }
0x38: {  	[sflag:s4] =	ssyncset.done $0x0;
	s18 =	sshll.u32 s17, $0xE  }
0x39: {  	[sflag:s4] =	ssyncadd.s32 $0xFFFFC000;
	s18 =	sor.u32 $0x40, s18  }
0x3a: {  	s17 =	smul.u32 $0x10200, s17;
	v0 =	vld [tilespmem:s18+$0x30]  }
0x3b: {  	v1 =	vld [tilespmem:s18+$0xFFFFFFD0]  }
0x3c: {  	s17 =	sshrl.u32 s17, $0x2;
	v5 =	vld [tilespmem:s18+$0xFFFFFFE0]  }
0x3d: {  	v6 =	vld [tilespmem:s18+$0xFFFFFFF0];
	s20 =	sor.u32 $0x8000, s17  }
0x3e: {  	s31 =	sand.u32 $0x1, s8;
	v4 =	vld [tilespmem:s18+$0x0];
	s19 =	sadd.s32 $0x0, s20  }
0x3f: {  	v3 =	vld [tilespmem:s18+$0x10];
	s17 =	smul.u32 $0x10200, s31;
	[tilespmem:s19+$0x3870 ss:$0x81] =	vst.msk $0xffff, v0  }
0x40: {  	v2 =	vld [tilespmem:s18+$0x20];
	[tilespmem:s19+$0x810 ss:$0x81] =	vst.msk $0xffff, v1  }
0x41: {  	s17 =	sshrl.u32 s17, $0x2;
	v1 =	vld [tilespmem:s18+$0xFFFFFFC0];
	[tilespmem:s19+$0x1020 ss:$0x81] =	vst.msk $0xffff, v5;
	s18 =	sadd.s32 $0x80, s18  }
0x42: {  	s21 =	simm.s32 $0x4;
	s22 =	simm.s32 $0x8;
	s17 =	sor.u32 $0x8000, s17;
	[tilespmem:s19+$0x1830 ss:$0x81] =	vst.msk $0xffff, v6;
	v0 =	vld [tilespmem:s18+$0x30]  }
.LBB1_3:
0x43: {  	p1 =	sne.s32 s22, $0x1FC;
	v5 =	vld [tilespmem:s18+$0xFFFFFFD0];
	[tilespmem:s19+$0x2040 ss:$0x81] =	vst.msk $0xffff, v4  }
0x44: {  	v6 =	vld [tilespmem:s18+$0xFFFFFFE0];
	[tilespmem:s19+$0x2850 ss:$0x81] =	vst.msk $0xffff, v3  }
0x45: {  	s23 =	sshra.s32 s21, $0x2;
	s21 =	smov.u32 s22;
	v7 =	vld [tilespmem:s18+$0xFFFFFFF0];
	[tilespmem:s19+$0x3060 ss:$0x81] =	vst.msk $0xffff, v2  }
.Ltmp3:
0x46: {  	v4 =	vld [tilespmem:s18+$0x0];
	[tilespmem:s19+$0x0 ss:$0x81] =	vst.msk $0xffff, v1;
	s19 =	sadd.s32 s23, s20;
	(pc) =	sbr.rel @p1 .LBB1_3-.Ltmp3, $4  }
0x47: {  	v3 =	vld [tilespmem:s18+$0x10];
	[tilespmem:s19+$0x3870 ss:$0x81] =	vst.msk $0xffff, v0  }
0x48: {  	[tilespmem:s19+$0x810 ss:$0x81] =	vst.msk $0xffff, v5;
	v2 =	vld [tilespmem:s18+$0x20]  }
0x49: {  	v1 =	vld [tilespmem:s18+$0xFFFFFFC0];
	[tilespmem:s19+$0x1020 ss:$0x81] =	vst.msk $0xffff, v6;
	s18 =	sadd.s32 $0x80, s18  }
0x4a: {  	s22 =	sadd.s32 $0x4, s22;
	v0 =	vld [tilespmem:s18+$0x30];
	[tilespmem:s19+$0x1830 ss:$0x81] =	vst.msk $0xffff, v7  }
0x4b: {  	s21 =	sshra.s32 s21, $0x2;
	s28 =	sshll.u32 s7, $0xC;
	p1 =	sgt.s32 s10, $0x1F  }
0x4c: {  	s22 =	smov.u32 s10;
	s23 =	sshra.s32 s10, $0x1F;
	s24 =	sshll.u32 s9, $0x3  }
0x4d: {  	s26 =	smov.u32 s9;
	s27 =	sshra.s32 s9, $0x1F;
	s30 =	sshra.s32 s7, $0x1F  }
0x4e: {  	s20 =	sadd.s32 s21, s20;
	s22 =	simm.s32 @!p1 $0x1F;
	s23 =	sand.u32 s23, s10  }
0x4f: {  	s21 =	sand.u32 $0xFFFF8000, s28;
	s25 =	sand.u32 $0xFFFFFC00, s24;
	p1 =	sgt.s32 s7, $0x40  }
0x50: {  	s29 =	sand.u32 s27, s9;
	s27 =	sshll.u32 s7, $0x7;
	s22 =	ssub.s32 s22, s23  }
0x51: {  	s21 =	sadd.s32 s25, s21;
	s25 =	smov.u32 s7;
	s23 =	sadd.s32 $0xFFFFFFE1, s22  }
0x52: {  	s25 =	simm.s32 @!p1 $0x40;
	p1 =	sgt.s32 s9, $0xF80;
	s21 =	sshrl.u32 s21, $0xC  }
0x53: {  	v5 =	vld [tilespmem:s18+$0xFFFFFFD0];
	[tilespmem:s19+$0x2040 ss:$0x81] =	vst.msk $0xffff, v4;
	s22 =	ssub.s32 $0x20, s22;
	s26 =	simm.s32 @!p1 $0xF80;
	p1 =	sgt.s32 s23, $0x0  }
0x54: {  	v58 =	vld [tilespmem:s18+$0xFFFFFFE0];
	[tilespmem:s19+$0x2850 ss:$0x81] =	vst.msk $0xffff, v3;
	s28 =	smulhi.u32 $0x1555556, s21;
	s23 =	ssub.s32 s26, s29;
	s26 =	sand.u32 s30, s7  }
0x55: {  	v59 =	vld [tilespmem:s18+$0xFFFFFFF0];
	[tilespmem:s19+$0x3060 ss:$0x81] =	vst.msk $0xffff, v2;
	s22 =	simm.s32 @p1 $0x0;
	s29 =	sand.u32 $0x78, s9;
	s30 =	sand.u32 $0x380, s27  }
0x56: {  	v60 =	vld [tilespmem:s18+$0x0];
	[tilespmem:s19+$0x0 ss:$0x81] =	vst.msk $0xffff, v1;
	s25 =	ssub.s32 s25, s26;
	s31 =	sadd.s32 $0xFFFFF080, s23;
	s23 =	ssub.s32 $0x1000, s23  }
0x57: {  	v61 =	vld [tilespmem:s18+$0x10];
	[tilespmem:s20+$0x3870 ss:$0x81] =	vst.msk $0xffff, v0;
	s19 =	smul.u32 $0xC0, s28;
	s28 =	sand.u32 $0x7, s9;
	p1 =	sgt.s32 s31, $0x7F  }
0x58: {  	v62 =	vld [tilespmem:s18+$0x20];
	[tilespmem:s20+$0x810 ss:$0x81] =	vst.msk $0xffff, v5;
	s26 =	sadd.s32 $0xFFFFFFC0, s25;
	s31 =	sand.u32 $0xC00, s24;
	s24 =	ssub.s32 $0xC0, s25  }
0x59: {  	v63 =	vld [tilespmem:s18+$0xFFFFFFC0];
	[tilespmem:s20+$0x1020 ss:$0x81] =	vst.msk $0xffff, v58;
	s25 =	smul.u32 $0x18000, s10;
	s23 =	simm.s32 @p1 $0x0;
	p1 =	sgt.s32 s26, $0x7F  }
0x5a: {  	[tilespmem:s20+$0x1830 ss:$0x81] =	vst.msk $0xffff, v59;
	s18 =	sor.u32 s29, s31;
	s19 =	ssub.s32 s21, s19;
	s22 =	smul.u32 s22, s23  }
.Ltmp4:
0x5b: {  	[tilespmem:s20+$0x2040 ss:$0x81] =	vst.msk $0xffff, v60;
	s24 =	simm.s32 @p1 $0x0;
	s18 =	sor.u32 s30, s18;
	(pc) =	sbr.rel .LBB1_5-.Ltmp4, $4  }
0x5c: {  	[tilespmem:s20+$0x2850 ss:$0x81] =	vst.msk $0xffff, v61;
	s27 =	sadd.s32 s2, s25;
	s18 =	sshrl.u32 s18, $0x3;
	s26 =	smul.u32 s24, s22  }
0x5d: {  	[tilespmem:s20+$0x3060 ss:$0x81] =	vst.msk $0xffff, v62;
	s29 =	sshll.u32 s28, $0x12;
	s19 =	sshll.u32 s19, $0x9;
	s18 =	sadd.s32 s18, s27  }
0x5e: {  	[tilespmem:s20+$0x0 ss:$0x81] =	vst.msk $0xffff, v63;
	s31 =	sor.u32 $0x400, s29;
	s18 =	sadd.s32 s19, s18;
	s30 =	sand.u32 $0x3FFFFFFF, s26  }
0x5f: {  	[hbm4b:s18+s31] =	stream.strided.scatter [tilespmem:s17], [sflag:$0x2], s30, s6, s31, $0x20;
	[tilespmem:$0x10100] =	vst v63  }
.LBB1_6:
0x60: {  	_ =	sfence.sel $0x180000  }
0x61: {  	s2 =	simm.s32 $0x1;
	[bflag:$0x0] =	sbarrier.arrive $0xFFFF  }
0x62: {  	s31 =	simm.s32 $0x2;
	[sflag:s2] =	ssyncpa.u1 $0x1  }
0x63: {  	[sflag:s31] =	ssyncpa.u1 $0x1  }
0x64: {  	p0 =	sne.s32 s1, $0x0;
	_ =	strace $0x90000047  }
0x65: {  	s0 =	sadd.s32 @!p0 $0x100000, s0;
	[bflag:$0x2] =	sbarrier.arrive $0xFFFF  }
0x66: {  	[sflag:s0] =	ssyncadd.tile.s32 @!p0 $0x1;
	_ =	shalt  }
.Lfunc_end1:
_tile_overlayer_lowered:
.L_overlay_start_2:
0x67: {  	(tag) =	ssettag $0x2  }
0x68: {  	s0 =	rddreg [dreg:$0x0];
	s2 =	stileid.u32  }
0x69: {  	s1 =	rddreg [dreg:$0x1];
	p0 =	sne.s32 s2, $0x0  }
0x6a: {  	s3 =	rddreg [dreg:$0x2];
	[bflag:$0x3] =	sbarrier.arrive $0xFFFF;
	s2 =	simm.s32 @!p0 $0x1C01  }
0x6b: {  	[timem:s3], [sflag:s2] =	dma.local @!p0 [hbm:s0], s1  }
0x6c: {  	s0 =	simm.s32 @!p0 $0x1  }
0x6d: {  	_ =	swait.ge @!p0 [sflag:s0], s1  }
0x6e: {  	s1 =	ssub.s32 @!p0 $0x0, s1;
	[sflag:s0] =	ssyncset.done @!p0 $0x0  }
0x6f: {  	[sflag:s0] =	ssyncadd.s32 @!p0 s1  }
0x70: {  	[bflag:$0x3] =	sbarrier.arrive $0xFFFF  }
0x71: {  	_ =	shalt  }

</sc_bundles>
